<compile_context>
chip_gen: v7x
topology: tpu7x:2x2x1
jax: 0.10.2.dev20260603
libtpu: 0.0.44.dev20260713+nightly
codegen_flags: <defaults>
</compile_context>

<pallas_src>
import functools

import jax
import jax.numpy as jnp
from jax import lax
from jax.experimental import pallas as pl
from jax.experimental.pallas import tpu as pltpu, tpu_sc as plsc

NB = 2
C = 16384


def kernel(token_embedding, pos_table):
    B, S, E = token_embedding.shape
    NC, NS = 2, 16
    NW = NC * NS
    total = B * S * E
    per_w = total // NW
    nch = per_w // C
    pos_elems = S * E

    te_flat = token_embedding.reshape(-1)
    pos_flat = pos_table[:S].reshape(-1)

    mesh = plsc.VectorSubcoreMesh(core_axis_name="c", subcore_axis_name="s")

    @functools.partial(
        pl.kernel,
        out_type=jax.ShapeDtypeStruct((total,), jnp.float32),
        mesh=mesh,
        scratch_types=[
            pltpu.VMEM((NB, C), jnp.float32),
            pltpu.VMEM((NB, C), jnp.float32),
            pltpu.VMEM((NB, C), jnp.float32),
            pltpu.SemaphoreType.DMA((NB,)),
            pltpu.SemaphoreType.DMA((NB,)),
            pltpu.SemaphoreType.DMA((NB,)),
        ],
    )
    def sc_add(te_hbm, pos_hbm, out_hbm, te_v, pos_v, out_v, lt, lp, os):
        wid = lax.axis_index("s") * NC + lax.axis_index("c")
        base = wid * per_w

        def load_te(g, slot):
            off = pl.multiple_of(base + g * C, C)
            return pltpu.make_async_copy(
                te_hbm.at[pl.ds(off, C)], te_v.at[slot], lt.at[slot])

        def load_pos(g, slot):
            off = pl.multiple_of(base + g * C, C)
            poff = pl.multiple_of(lax.rem(off, pos_elems), C)
            return pltpu.make_async_copy(
                pos_hbm.at[pl.ds(poff, C)], pos_v.at[slot], lp.at[slot])

        def store_out(g, slot):
            off = pl.multiple_of(base + g * C, C)
            return pltpu.make_async_copy(
                out_v.at[slot], out_hbm.at[pl.ds(off, C)], os.at[slot])

        for slot in range(NB):
            load_te(slot, slot).start()
            load_pos(slot, slot).start()

        def group(gg, carry):
            for slot in range(NB):
                g = gg * NB + slot

                @pl.when(g >= NB)
                def _():
                    store_out(g - NB, slot).wait()

                load_te(g, slot).wait()
                load_pos(g, slot).wait()

                tev = te_v.at[slot]
                posv = pos_v.at[slot]
                outv = out_v.at[slot]

                @plsc.parallel_loop(0, C // 16, unroll=8)
                def _(i):
                    sl = pl.ds(i * 16, 16)
                    outv[sl] = tev[sl] + posv[sl]

                store_out(g, slot).start()

                nxt = g + NB

                @pl.when(nxt < nch)
                def _():
                    load_te(nxt, slot).start()
                    load_pos(nxt, slot).start()
            return carry

        lax.fori_loop(0, nch // NB, group, 0)

        for slot in range(NB):
            pltpu.make_async_copy(
                out_v.at[slot], out_hbm.at[pl.ds(base, C)], os.at[slot]).wait()

    out = sc_add(te_flat, pos_flat)
    return out.reshape(B, S, E)

# --- scband reference (transcript-rebuilt; emitter-appended) ---
"""Pipeline reference for scband-learned-positional-encoding-41721312313491 (READ-ONLY COPY).

The authoritative reference and input builder live on the scoring server;
editing this copy changes nothing except your own understanding.
"""

import jax, jax.numpy as jnp
import numpy as np

MAXLEN = 8192
EMB = 1024
B = 4
S = 4096

def setup_inputs(seed: int = 0) -> dict:
    key = jax.random.key(seed)
    k1, k2 = jax.random.split(key)
    token_embedding = jax.random.normal(k1, (B, S, EMB), dtype=jnp.float32)
    # learned positional embedding table, nn.Embedding default init ~ N(0,1)
    pos_table = jax.random.normal(k2, (MAXLEN, EMB), dtype=jnp.float32)
    return {"token_embedding": token_embedding, "pos_table": pos_table}

def reference(token_embedding, pos_table):
    seq_len = token_embedding.shape[1]
    positions = jnp.arange(seq_len)[None, :]  # [1, S]
    pos_emb = jnp.take(pos_table, positions, axis=0)  # [1, S, EMB]
    # dropout is identity in eval/inference mode
    return token_embedding + pos_emb

if __name__ == "__main__":
    import jax
    _d = setup_inputs()
    print(jax.jit(kernel)(*tuple(_d.values())))

</pallas_src>

<mosaic_0001>
#map = affine_map<(d0, d1) -> (0)>
module attributes {stable_mosaic.version = 14 : i64} {
  func.func @sc_add(%arg0: i32, %arg1: i32, %arg2: memref<16777216xf32, #tpu.memory_space<hbm>>, %arg3: memref<4194304xf32, #tpu.memory_space<hbm>>, %arg4: memref<16777216xf32, #tpu.memory_space<hbm>>, %arg5: memref<2x16384xf32, #tpu.memory_space<vmem>>, %arg6: memref<2x16384xf32, #tpu.memory_space<vmem>>, %arg7: memref<2x16384xf32, #tpu.memory_space<vmem>>, %arg8: memref<2x!tpu.dma_semaphore, #tpu.memory_space<semaphore_mem>>, %arg9: memref<2x!tpu.dma_semaphore, #tpu.memory_space<semaphore_mem>>, %arg10: memref<2x!tpu.dma_semaphore, #tpu.memory_space<semaphore_mem>>) attributes {dimension_semantics = [#tpu.dimension_semantics<core_parallel>, #tpu.dimension_semantics<subcore_parallel>], iteration_bounds = array<i64: 2, 16>, scalar_prefetch = 0 : i64, scratch_operands = 6 : i64, tpu.core_type = #tpu.core_type<sc_vector_subcore>, window_params = [{transform_indices = #map}, {transform_indices = #map}, {transform_indices = #map}]} {
    %mul3A = arith.constant 2 : i32
    %mul3A_0 = arith.muli %arg1, %mul3A : i32
    %add3A = arith.addi %mul3A_0, %arg0 : i32
    %mul3A_1 = arith.constant 524288 : i32
    %mul3A_2 = arith.muli %add3A, %mul3A_1 : i32
    %add3A_3 = arith.constant 0 : i32
    %add3A_4 = arith.addi %mul3A_2, %add3A_3 : i32
    %multiple_of3A = tpu.assume_multiple %add3A_4, 16384 : i32
    %dma_start3A = arith.constant 0 : i32
    %dma_start3A_5 = arith.constant 0 : i32
    %dma_start3A_6 = arith.constant 0 : i32
    %dma_start3A_7 = tpu.memref_slice %arg5[%dma_start3A, %dma_start3A_6] : memref<2x16384xf32, #tpu.memory_space<vmem>> -> memref<1x16384xf32, #tpu.memory_space<vmem>>
    %dma_start3A_8 = tpu.memref_squeeze %dma_start3A_7 : memref<1x16384xf32, #tpu.memory_space<vmem>> -> memref<16384xf32, #tpu.memory_space<vmem>>
    %dma_start3A_9 = tpu.memref_slice %arg2[%multiple_of3A] : memref<16777216xf32, #tpu.memory_space<hbm>> -> memref<16384xf32, #tpu.memory_space<hbm>>
    %dma_start3A_10 = tpu.memref_slice %arg8[%dma_start3A_5] : memref<2x!tpu.dma_semaphore, #tpu.memory_space<semaphore_mem>> -> memref<1x!tpu.dma_semaphore, #tpu.memory_space<semaphore_mem>>
    %dma_start3A_11 = tpu.memref_squeeze %dma_start3A_10 : memref<1x!tpu.dma_semaphore, #tpu.memory_space<semaphore_mem>> -> memref<!tpu.dma_semaphore, #tpu.memory_space<semaphore_mem>>
    %dma_start3A_12 = arith.constant 0 : i32
    %dma_start3A_13 = tpu.memref_slice %arg5[%dma_start3A, %dma_start3A_12] : memref<2x16384xf32, #tpu.memory_space<vmem>> -> memref<1x16384xf32, #tpu.memory_space<vmem>>
    %dma_start3A_14 = tpu.memref_squeeze %dma_start3A_13 : memref<1x16384xf32, #tpu.memory_space<vmem>> -> memref<16384xf32, #tpu.memory_space<vmem>>
    %dma_start3A_15 = tpu.memref_slice %arg2[%multiple_of3A] : memref<16777216xf32, #tpu.memory_space<hbm>> -> memref<16384xf32, #tpu.memory_space<hbm>>
    tpu.enqueue_dma source(%dma_start3A_15 : memref<16384xf32, #tpu.memory_space<hbm>>) target(%dma_start3A_14 : memref<16384xf32, #tpu.memory_space<vmem>>) target_semaphore(%dma_start3A_11 : memref<!tpu.dma_semaphore, #tpu.memory_space<semaphore_mem>>)
    %add3A_16 = arith.constant 0 : i32
    %add3A_17 = arith.addi %mul3A_2, %add3A_16 : i32
    %multiple_of3A_18 = tpu.assume_multiple %add3A_17, 16384 : i32
    %rem3A = arith.constant 4194304 : i32
    %rem3A_19 = arith.remsi %multiple_of3A_18, %rem3A : i32
    %multiple_of3A_20 = tpu.assume_multiple %rem3A_19, 16384 : i32
    %dma_start3A_21 = arith.constant 0 : i32
    %dma_start3A_22 = arith.constant 0 : i32
    %dma_start3A_23 = arith.constant 0 : i32
    %dma_start3A_24 = tpu.memref_slice %arg6[%dma_start3A_21, %dma_start3A_23] : memref<2x16384xf32, #tpu.memory_space<vmem>> -> memref<1x16384xf32, #tpu.memory_space<vmem>>
    %dma_start3A_25 = tpu.memref_squeeze %dma_start3A_24 : memref<1x16384xf32, #tpu.memory_space<vmem>> -> memref<16384xf32, #tpu.memory_space<vmem>>
    %dma_start3A_26 = tpu.memref_slice %arg3[%multiple_of3A_20] : memref<4194304xf32, #tpu.memory_space<hbm>> -> memref<16384xf32, #tpu.memory_space<hbm>>
    %dma_start3A_27 = tpu.memref_slice %arg9[%dma_start3A_22] : memref<2x!tpu.dma_semaphore, #tpu.memory_space<semaphore_mem>> -> memref<1x!tpu.dma_semaphore, #tpu.memory_space<semaphore_mem>>
    %dma_start3A_28 = tpu.memref_squeeze %dma_start3A_27 : memref<1x!tpu.dma_semaphore, #tpu.memory_space<semaphore_mem>> -> memref<!tpu.dma_semaphore, #tpu.memory_space<semaphore_mem>>
    %dma_start3A_29 = arith.constant 0 : i32
    %dma_start3A_30 = tpu.memref_slice %arg6[%dma_start3A_21, %dma_start3A_29] : memref<2x16384xf32, #tpu.memory_space<vmem>> -> memref<1x16384xf32, #tpu.memory_space<vmem>>
    %dma_start3A_31 = tpu.memref_squeeze %dma_start3A_30 : memref<1x16384xf32, #tpu.memory_space<vmem>> -> memref<16384xf32, #tpu.memory_space<vmem>>
    %dma_start3A_32 = tpu.memref_slice %arg3[%multiple_of3A_20] : memref<4194304xf32, #tpu.memory_space<hbm>> -> memref<16384xf32, #tpu.memory_space<hbm>>
    tpu.enqueue_dma source(%dma_start3A_32 : memref<16384xf32, #tpu.memory_space<hbm>>) target(%dma_start3A_31 : memref<16384xf32, #tpu.memory_space<vmem>>) target_semaphore(%dma_start3A_28 : memref<!tpu.dma_semaphore, #tpu.memory_space<semaphore_mem>>)
    %add3A_33 = arith.constant 16384 : i32
    %add3A_34 = arith.addi %mul3A_2, %add3A_33 : i32
    %multiple_of3A_35 = tpu.assume_multiple %add3A_34, 16384 : i32
    %dma_start3A_36 = arith.constant 1 : i32
    %dma_start3A_37 = arith.constant 1 : i32
    %dma_start3A_38 = arith.constant 0 : i32
    %dma_start3A_39 = tpu.memref_slice %arg5[%dma_start3A_36, %dma_start3A_38] : memref<2x16384xf32, #tpu.memory_space<vmem>> -> memref<1x16384xf32, #tpu.memory_space<vmem>>
    %dma_start3A_40 = tpu.memref_squeeze %dma_start3A_39 : memref<1x16384xf32, #tpu.memory_space<vmem>> -> memref<16384xf32, #tpu.memory_space<vmem>>
    %dma_start3A_41 = tpu.memref_slice %arg2[%multiple_of3A_35] : memref<16777216xf32, #tpu.memory_space<hbm>> -> memref<16384xf32, #tpu.memory_space<hbm>>
    %dma_start3A_42 = tpu.memref_slice %arg8[%dma_start3A_37] : memref<2x!tpu.dma_semaphore, #tpu.memory_space<semaphore_mem>> -> memref<1x!tpu.dma_semaphore, #tpu.memory_space<semaphore_mem>>
    %dma_start3A_43 = tpu.memref_squeeze %dma_start3A_42 : memref<1x!tpu.dma_semaphore, #tpu.memory_space<semaphore_mem>> -> memref<!tpu.dma_semaphore, #tpu.memory_space<semaphore_mem>>
    %dma_start3A_44 = arith.constant 0 : i32
    %dma_start3A_45 = tpu.memref_slice %arg5[%dma_start3A_36, %dma_start3A_44] : memref<2x16384xf32, #tpu.memory_space<vmem>> -> memref<1x16384xf32, #tpu.memory_space<vmem>>
    %dma_start3A_46 = tpu.memref_squeeze %dma_start3A_45 : memref<1x16384xf32, #tpu.memory_space<vmem>> -> memref<16384xf32, #tpu.memory_space<vmem>>
    %dma_start3A_47 = tpu.memref_slice %arg2[%multiple_of3A_35] : memref<16777216xf32, #tpu.memory_space<hbm>> -> memref<16384xf32, #tpu.memory_space<hbm>>
    tpu.enqueue_dma source(%dma_start3A_47 : memref<16384xf32, #tpu.memory_space<hbm>>) target(%dma_start3A_46 : memref<16384xf32, #tpu.memory_space<vmem>>) target_semaphore(%dma_start3A_43 : memref<!tpu.dma_semaphore, #tpu.memory_space<semaphore_mem>>)
    %add3A_48 = arith.constant 16384 : i32
    %add3A_49 = arith.addi %mul3A_2, %add3A_48 : i32
    %multiple_of3A_50 = tpu.assume_multiple %add3A_49, 16384 : i32
    %rem3A_51 = arith.constant 4194304 : i32
    %rem3A_52 = arith.remsi %multiple_of3A_50, %rem3A_51 : i32
    %multiple_of3A_53 = tpu.assume_multiple %rem3A_52, 16384 : i32
    %dma_start3A_54 = arith.constant 1 : i32
    %dma_start3A_55 = arith.constant 1 : i32
    %dma_start3A_56 = arith.constant 0 : i32
    %dma_start3A_57 = tpu.memref_slice %arg6[%dma_start3A_54, %dma_start3A_56] : memref<2x16384xf32, #tpu.memory_space<vmem>> -> memref<1x16384xf32, #tpu.memory_space<vmem>>
    %dma_start3A_58 = tpu.memref_squeeze %dma_start3A_57 : memref<1x16384xf32, #tpu.memory_space<vmem>> -> memref<16384xf32, #tpu.memory_space<vmem>>
    %dma_start3A_59 = tpu.memref_slice %arg3[%multiple_of3A_53] : memref<4194304xf32, #tpu.memory_space<hbm>> -> memref<16384xf32, #tpu.memory_space<hbm>>
    %dma_start3A_60 = tpu.memref_slice %arg9[%dma_start3A_55] : memref<2x!tpu.dma_semaphore, #tpu.memory_space<semaphore_mem>> -> memref<1x!tpu.dma_semaphore, #tpu.memory_space<semaphore_mem>>
    %dma_start3A_61 = tpu.memref_squeeze %dma_start3A_60 : memref<1x!tpu.dma_semaphore, #tpu.memory_space<semaphore_mem>> -> memref<!tpu.dma_semaphore, #tpu.memory_space<semaphore_mem>>
    %dma_start3A_62 = arith.constant 0 : i32
    %dma_start3A_63 = tpu.memref_slice %arg6[%dma_start3A_54, %dma_start3A_62] : memref<2x16384xf32, #tpu.memory_space<vmem>> -> memref<1x16384xf32, #tpu.memory_space<vmem>>
    %dma_start3A_64 = tpu.memref_squeeze %dma_start3A_63 : memref<1x16384xf32, #tpu.memory_space<vmem>> -> memref<16384xf32, #tpu.memory_space<vmem>>
    %dma_start3A_65 = tpu.memref_slice %arg3[%multiple_of3A_53] : memref<4194304xf32, #tpu.memory_space<hbm>> -> memref<16384xf32, #tpu.memory_space<hbm>>
    tpu.enqueue_dma source(%dma_start3A_65 : memref<16384xf32, #tpu.memory_space<hbm>>) target(%dma_start3A_64 : memref<16384xf32, #tpu.memory_space<vmem>>) target_semaphore(%dma_start3A_61 : memref<!tpu.dma_semaphore, #tpu.memory_space<semaphore_mem>>)
    %scan3A = arith.constant 0 : i32
    %scan3A_66 = arith.constant 0 : i32
    %scan3A_67 = arith.constant 16 : i32
    %scan3A_68 = arith.addi %scan3A_66, %scan3A_67 : i32
    %scan3A_69 = arith.constant 1 : i32
    scf.for %scan3A_94 = %scan3A_66 to %scan3A_68 step %scan3A_69  : i32 {
      %mul3A_95 = arith.constant 2 : i32
      %mul3A_96 = arith.muli %scan3A_94, %mul3A_95 : i32
      %add3A_97 = arith.constant 0 : i32
      %add3A_98 = arith.addi %mul3A_96, %add3A_97 : i32
      %ge3A = arith.constant 2 : i32
      %ge3A_99 = arith.cmpi sge, %add3A_98, %ge3A : i32
      %convert_element_type3A = arith.extui %ge3A_99 : i1 to i32
      %cond3A = arith.constant 0 : i32
      %cond3A_100 = arith.cmpi ne, %convert_element_type3A, %cond3A : i32
      scf.if %cond3A_100 {
        %sub3A = arith.constant 2 : i32
        %sub3A_236 = arith.subi %add3A_98, %sub3A : i32
        %mul3A_237 = arith.constant 16384 : i32
        %mul3A_238 = arith.muli %sub3A_236, %mul3A_237 : i32
        %add3A_239 = arith.addi %mul3A_2, %mul3A_238 : i32
        %multiple_of3A_240 = tpu.assume_multiple %add3A_239, 16384 : i32
        %dma_wait3A_241 = arith.constant 0 : i32
        %dma_wait3A_242 = arith.constant 0 : i32
        %dma_wait3A_243 = arith.constant 0 : i32
        %dma_wait3A_244 = tpu.memref_slice %arg7[%dma_wait3A_241, %dma_wait3A_243] : memref<2x16384xf32, #tpu.memory_space<vmem>> -> memref<1x16384xf32, #tpu.memory_space<vmem>>
        %dma_wait3A_245 = tpu.memref_squeeze %dma_wait3A_244 : memref<1x16384xf32, #tpu.memory_space<vmem>> -> memref<16384xf32, #tpu.memory_space<vmem>>
        %dma_wait3A_246 = tpu.memref_slice %arg4[%multiple_of3A_240] : memref<16777216xf32, #tpu.memory_space<hbm>> -> memref<16384xf32, #tpu.memory_space<hbm>>
        %dma_wait3A_247 = tpu.memref_slice %arg10[%dma_wait3A_242] : memref<2x!tpu.dma_semaphore, #tpu.memory_space<semaphore_mem>> -> memref<1x!tpu.dma_semaphore, #tpu.memory_space<semaphore_mem>>
        %dma_wait3A_248 = tpu.memref_squeeze %dma_wait3A_247 : memref<1x!tpu.dma_semaphore, #tpu.memory_space<semaphore_mem>> -> memref<!tpu.dma_semaphore, #tpu.memory_space<semaphore_mem>>
        %dma_wait3A_249 = tpu.memref_slice %arg4[%multiple_of3A_240] : memref<16777216xf32, #tpu.memory_space<hbm>> -> memref<16384xf32, #tpu.memory_space<hbm>>
        %dma_wait3A_250 = arith.constant 0 : i32
        %dma_wait3A_251 = tpu.memref_slice %arg7[%dma_wait3A_241, %dma_wait3A_250] : memref<2x16384xf32, #tpu.memory_space<vmem>> -> memref<1x16384xf32, #tpu.memory_space<vmem>>
        %dma_wait3A_252 = tpu.memref_squeeze %dma_wait3A_251 : memref<1x16384xf32, #tpu.memory_space<vmem>> -> memref<16384xf32, #tpu.memory_space<vmem>>
        tpu.wait_dma2 semaphore(%dma_wait3A_248 : memref<!tpu.dma_semaphore, #tpu.memory_space<semaphore_mem>>) src(%dma_wait3A_252 : memref<16384xf32, #tpu.memory_space<vmem>>) dst(%dma_wait3A_249 : memref<16384xf32, #tpu.memory_space<hbm>>)
      } else {
      }
      %mul3A_101 = arith.constant 16384 : i32
      %mul3A_102 = arith.muli %add3A_98, %mul3A_101 : i32
      %add3A_103 = arith.addi %mul3A_2, %mul3A_102 : i32
      %multiple_of3A_104 = tpu.assume_multiple %add3A_103, 16384 : i32
      %dma_wait3A_105 = arith.constant 0 : i32
      %dma_wait3A_106 = arith.constant 0 : i32
      %dma_wait3A_107 = arith.constant 0 : i32
      %dma_wait3A_108 = tpu.memref_slice %arg5[%dma_wait3A_105, %dma_wait3A_107] : memref<2x16384xf32, #tpu.memory_space<vmem>> -> memref<1x16384xf32, #tpu.memory_space<vmem>>
      %dma_wait3A_109 = tpu.memref_squeeze %dma_wait3A_108 : memref<1x16384xf32, #tpu.memory_space<vmem>> -> memref<16384xf32, #tpu.memory_space<vmem>>
      %dma_wait3A_110 = tpu.memref_slice %arg2[%multiple_of3A_104] : memref<16777216xf32, #tpu.memory_space<hbm>> -> memref<16384xf32, #tpu.memory_space<hbm>>
      %dma_wait3A_111 = tpu.memref_slice %arg8[%dma_wait3A_106] : memref<2x!tpu.dma_semaphore, #tpu.memory_space<semaphore_mem>> -> memref<1x!tpu.dma_semaphore, #tpu.memory_space<semaphore_mem>>
      %dma_wait3A_112 = tpu.memref_squeeze %dma_wait3A_111 : memref<1x!tpu.dma_semaphore, #tpu.memory_space<semaphore_mem>> -> memref<!tpu.dma_semaphore, #tpu.memory_space<semaphore_mem>>
      %dma_wait3A_113 = arith.constant 0 : i32
      %dma_wait3A_114 = tpu.memref_slice %arg5[%dma_wait3A_105, %dma_wait3A_113] : memref<2x16384xf32, #tpu.memory_space<vmem>> -> memref<1x16384xf32, #tpu.memory_space<vmem>>
      %dma_wait3A_115 = tpu.memref_squeeze %dma_wait3A_114 : memref<1x16384xf32, #tpu.memory_space<vmem>> -> memref<16384xf32, #tpu.memory_space<vmem>>
      %dma_wait3A_116 = tpu.memref_slice %arg2[%multiple_of3A_104] : memref<16777216xf32, #tpu.memory_space<hbm>> -> memref<16384xf32, #tpu.memory_space<hbm>>
      tpu.wait_dma2 semaphore(%dma_wait3A_112 : memref<!tpu.dma_semaphore, #tpu.memory_space<semaphore_mem>>) src(%dma_wait3A_116 : memref<16384xf32, #tpu.memory_space<hbm>>) dst(%dma_wait3A_115 : memref<16384xf32, #tpu.memory_space<vmem>>)
      %mul3A_117 = arith.constant 16384 : i32
      %mul3A_118 = arith.muli %add3A_98, %mul3A_117 : i32
      %add3A_119 = arith.addi %mul3A_2, %mul3A_118 : i32
      %multiple_of3A_120 = tpu.assume_multiple %add3A_119, 16384 : i32
      %rem3A_121 = arith.constant 4194304 : i32
      %rem3A_122 = arith.remsi %multiple_of3A_120, %rem3A_121 : i32
      %multiple_of3A_123 = tpu.assume_multiple %rem3A_122, 16384 : i32
      %dma_wait3A_124 = arith.constant 0 : i32
      %dma_wait3A_125 = arith.constant 0 : i32
      %dma_wait3A_126 = arith.constant 0 : i32
      %dma_wait3A_127 = tpu.memref_slice %arg6[%dma_wait3A_124, %dma_wait3A_126] : memref<2x16384xf32, #tpu.memory_space<vmem>> -> memref<1x16384xf32, #tpu.memory_space<vmem>>
      %dma_wait3A_128 = tpu.memref_squeeze %dma_wait3A_127 : memref<1x16384xf32, #tpu.memory_space<vmem>> -> memref<16384xf32, #tpu.memory_space<vmem>>
      %dma_wait3A_129 = tpu.memref_slice %arg3[%multiple_of3A_123] : memref<4194304xf32, #tpu.memory_space<hbm>> -> memref<16384xf32, #tpu.memory_space<hbm>>
      %dma_wait3A_130 = tpu.memref_slice %arg9[%dma_wait3A_125] : memref<2x!tpu.dma_semaphore, #tpu.memory_space<semaphore_mem>> -> memref<1x!tpu.dma_semaphore, #tpu.memory_space<semaphore_mem>>
      %dma_wait3A_131 = tpu.memref_squeeze %dma_wait3A_130 : memref<1x!tpu.dma_semaphore, #tpu.memory_space<semaphore_mem>> -> memref<!tpu.dma_semaphore, #tpu.memory_space<semaphore_mem>>
      %dma_wait3A_132 = arith.constant 0 : i32
      %dma_wait3A_133 = tpu.memref_slice %arg6[%dma_wait3A_124, %dma_wait3A_132] : memref<2x16384xf32, #tpu.memory_space<vmem>> -> memref<1x16384xf32, #tpu.memory_space<vmem>>
      %dma_wait3A_134 = tpu.memref_squeeze %dma_wait3A_133 : memref<1x16384xf32, #tpu.memory_space<vmem>> -> memref<16384xf32, #tpu.memory_space<vmem>>
      %dma_wait3A_135 = tpu.memref_slice %arg3[%multiple_of3A_123] : memref<4194304xf32, #tpu.memory_space<hbm>> -> memref<16384xf32, #tpu.memory_space<hbm>>
      tpu.wait_dma2 semaphore(%dma_wait3A_131 : memref<!tpu.dma_semaphore, #tpu.memory_space<semaphore_mem>>) src(%dma_wait3A_135 : memref<16384xf32, #tpu.memory_space<hbm>>) dst(%dma_wait3A_134 : memref<16384xf32, #tpu.memory_space<vmem>>)
      %parallel_loop3A = arith.constant 0 : i32
      %parallel_loop3A_136 = arith.constant 1024 : i32
      %parallel_loop3A_137 = arith.constant 1 : i32
      %parallel_loop3A_138 = arith.constant 0 : i32
      %parallel_loop3A_139 = arith.constant 0 : i32
      %parallel_loop3A_140 = arith.constant 0 : i32
      scf.for %parallel_loop3A_236 = %parallel_loop3A to %parallel_loop3A_136 step %parallel_loop3A_137  : i32 {
        %parallel_loop3A_237 = arith.constant 16 : i32
        %parallel_loop3A_238 = arith.muli %parallel_loop3A_236, %parallel_loop3A_237 : i32
        %parallel_loop3A_239 = arith.constant 0 : i32
        %parallel_loop3A_240 = tpu.memref_slice %arg5[%parallel_loop3A_138, %parallel_loop3A_239] : memref<2x16384xf32, #tpu.memory_space<vmem>> -> memref<1x16384xf32, #tpu.memory_space<vmem>>
        %parallel_loop3A_241 = tpu.memref_squeeze %parallel_loop3A_240 : memref<1x16384xf32, #tpu.memory_space<vmem>> -> memref<16384xf32, #tpu.memory_space<vmem>>
        %parallel_loop3A_242 = arith.index_cast %parallel_loop3A_238 : i32 to index
        %parallel_loop3A_243 = tpu.vector_load %parallel_loop3A_241[%parallel_loop3A_242] {strides = array<i32>} : memref<16384xf32, #tpu.memory_space<vmem>>, vector<16xf32>,
        %parallel_loop3A_244 = vector.shape_cast %parallel_loop3A_243 : vector<16xf32> to vector<16xf32>
        %parallel_loop3A_245 = arith.constant 0 : i32
        %parallel_loop3A_246 = tpu.memref_slice %arg6[%parallel_loop3A_139, %parallel_loop3A_245] : memref<2x16384xf32, #tpu.memory_space<vmem>> -> memref<1x16384xf32, #tpu.memory_space<vmem>>
        %parallel_loop3A_247 = tpu.memref_squeeze %parallel_loop3A_246 : memref<1x16384xf32, #tpu.memory_space<vmem>> -> memref<16384xf32, #tpu.memory_space<vmem>>
        %parallel_loop3A_248 = arith.index_cast %parallel_loop3A_238 : i32 to index
        %parallel_loop3A_249 = tpu.vector_load %parallel_loop3A_247[%parallel_loop3A_248] {strides = array<i32>} : memref<16384xf32, #tpu.memory_space<vmem>>, vector<16xf32>,
        %parallel_loop3A_250 = vector.shape_cast %parallel_loop3A_249 : vector<16xf32> to vector<16xf32>
        %parallel_loop3A_251 = arith.addf %parallel_loop3A_244, %parallel_loop3A_250 : vector<16xf32>
        %parallel_loop3A_252 = arith.constant 0 : i32
        %parallel_loop3A_253 = tpu.memref_slice %arg7[%parallel_loop3A_140, %parallel_loop3A_252] : memref<2x16384xf32, #tpu.memory_space<vmem>> -> memref<1x16384xf32, #tpu.memory_space<vmem>>
        %parallel_loop3A_254 = tpu.memref_squeeze %parallel_loop3A_253 : memref<1x16384xf32, #tpu.memory_space<vmem>> -> memref<16384xf32, #tpu.memory_space<vmem>>
        %parallel_loop3A_255 = arith.index_cast %parallel_loop3A_238 : i32 to index
        %parallel_loop3A_256 = tpu.vector_load %parallel_loop3A_254[%parallel_loop3A_255] {strides = array<i32>} : memref<16384xf32, #tpu.memory_space<vmem>>, vector<16xf32>,
        %parallel_loop3A_257 = vector.shape_cast %parallel_loop3A_256 : vector<16xf32> to vector<16xf32>
        %parallel_loop3A_258 = vector.shape_cast %parallel_loop3A_251 : vector<16xf32> to vector<16xf32>
        tpu.vector_store %parallel_loop3A_254[%parallel_loop3A_255], %parallel_loop3A_258 {strides = array<i32>} : memref<16384xf32, #tpu.memory_space<vmem>>, vector<16xf32>,
      } {sc.loop_unroll_factor = 8 : i64, sc.parallel_access}
      %mul3A_141 = arith.constant 16384 : i32
      %mul3A_142 = arith.muli %add3A_98, %mul3A_141 : i32
      %add3A_143 = arith.addi %mul3A_2, %mul3A_142 : i32
      %multiple_of3A_144 = tpu.assume_multiple %add3A_143, 16384 : i32
      %dma_start3A_145 = arith.constant 0 : i32
      %dma_start3A_146 = arith.constant 0 : i32
      %dma_start3A_147 = arith.constant 0 : i32
      %dma_start3A_148 = tpu.memref_slice %arg7[%dma_start3A_145, %dma_start3A_147] : memref<2x16384xf32, #tpu.memory_space<vmem>> -> memref<1x16384xf32, #tpu.memory_space<vmem>>
      %dma_start3A_149 = tpu.memref_squeeze %dma_start3A_148 : memref<1x16384xf32, #tpu.memory_space<vmem>> -> memref<16384xf32, #tpu.memory_space<vmem>>
      %dma_start3A_150 = tpu.memref_slice %arg4[%multiple_of3A_144] : memref<16777216xf32, #tpu.memory_space<hbm>> -> memref<16384xf32, #tpu.memory_space<hbm>>
      %dma_start3A_151 = tpu.memref_slice %arg10[%dma_start3A_146] : memref<2x!tpu.dma_semaphore, #tpu.memory_space<semaphore_mem>> -> memref<1x!tpu.dma_semaphore, #tpu.memory_space<semaphore_mem>>
      %dma_start3A_152 = tpu.memref_squeeze %dma_start3A_151 : memref<1x!tpu.dma_semaphore, #tpu.memory_space<semaphore_mem>> -> memref<!tpu.dma_semaphore, #tpu.memory_space<semaphore_mem>>
      %dma_start3A_153 = tpu.memref_slice %arg4[%multiple_of3A_144] : memref<16777216xf32, #tpu.memory_space<hbm>> -> memref<16384xf32, #tpu.memory_space<hbm>>
      %dma_start3A_154 = arith.constant 0 : i32
      %dma_start3A_155 = tpu.memref_slice %arg7[%dma_start3A_145, %dma_start3A_154] : memref<2x16384xf32, #tpu.memory_space<vmem>> -> memref<1x16384xf32, #tpu.memory_space<vmem>>
      %dma_start3A_156 = tpu.memref_squeeze %dma_start3A_155 : memref<1x16384xf32, #tpu.memory_space<vmem>> -> memref<16384xf32, #tpu.memory_space<vmem>>
      tpu.enqueue_dma source(%dma_start3A_156 : memref<16384xf32, #tpu.memory_space<vmem>>) target(%dma_start3A_153 : memref<16384xf32, #tpu.memory_space<hbm>>) target_semaphore(%dma_start3A_152 : memref<!tpu.dma_semaphore, #tpu.memory_space<semaphore_mem>>)
      %add3A_157 = arith.constant 2 : i32
      %add3A_158 = arith.addi %add3A_98, %add3A_157 : i32
      %lt3A = arith.constant 32 : i32
      %lt3A_159 = arith.cmpi slt, %add3A_158, %lt3A : i32
      %convert_element_type3A_160 = arith.extui %lt3A_159 : i1 to i32
      %cond3A_161 = arith.constant 0 : i32
      %cond3A_162 = arith.cmpi ne, %convert_element_type3A_160, %cond3A_161 : i32
      scf.if %cond3A_162 {
        %mul3A_236 = arith.constant 16384 : i32
        %mul3A_237 = arith.muli %add3A_158, %mul3A_236 : i32
        %add3A_238 = arith.addi %mul3A_2, %mul3A_237 : i32
        %multiple_of3A_239 = tpu.assume_multiple %add3A_238, 16384 : i32
        %dma_start3A_240 = arith.constant 0 : i32
        %dma_start3A_241 = arith.constant 0 : i32
        %dma_start3A_242 = arith.constant 0 : i32
        %dma_start3A_243 = tpu.memref_slice %arg5[%dma_start3A_240, %dma_start3A_242] : memref<2x16384xf32, #tpu.memory_space<vmem>> -> memref<1x16384xf32, #tpu.memory_space<vmem>>
        %dma_start3A_244 = tpu.memref_squeeze %dma_start3A_243 : memref<1x16384xf32, #tpu.memory_space<vmem>> -> memref<16384xf32, #tpu.memory_space<vmem>>
        %dma_start3A_245 = tpu.memref_slice %arg2[%multiple_of3A_239] : memref<16777216xf32, #tpu.memory_space<hbm>> -> memref<16384xf32, #tpu.memory_space<hbm>>
        %dma_start3A_246 = tpu.memref_slice %arg8[%dma_start3A_241] : memref<2x!tpu.dma_semaphore, #tpu.memory_space<semaphore_mem>> -> memref<1x!tpu.dma_semaphore, #tpu.memory_space<semaphore_mem>>
        %dma_start3A_247 = tpu.memref_squeeze %dma_start3A_246 : memref<1x!tpu.dma_semaphore, #tpu.memory_space<semaphore_mem>> -> memref<!tpu.dma_semaphore, #tpu.memory_space<semaphore_mem>>
        %dma_start3A_248 = arith.constant 0 : i32
        %dma_start3A_249 = tpu.memref_slice %arg5[%dma_start3A_240, %dma_start3A_248] : memref<2x16384xf32, #tpu.memory_space<vmem>> -> memref<1x16384xf32, #tpu.memory_space<vmem>>
        %dma_start3A_250 = tpu.memref_squeeze %dma_start3A_249 : memref<1x16384xf32, #tpu.memory_space<vmem>> -> memref<16384xf32, #tpu.memory_space<vmem>>
        %dma_start3A_251 = tpu.memref_slice %arg2[%multiple_of3A_239] : memref<16777216xf32, #tpu.memory_space<hbm>> -> memref<16384xf32, #tpu.memory_space<hbm>>
        tpu.enqueue_dma source(%dma_start3A_251 : memref<16384xf32, #tpu.memory_space<hbm>>) target(%dma_start3A_250 : memref<16384xf32, #tpu.memory_space<vmem>>) target_semaphore(%dma_start3A_247 : memref<!tpu.dma_semaphore, #tpu.memory_space<semaphore_mem>>)
        %mul3A_252 = arith.constant 16384 : i32
        %mul3A_253 = arith.muli %add3A_158, %mul3A_252 : i32
        %add3A_254 = arith.addi %mul3A_2, %mul3A_253 : i32
        %multiple_of3A_255 = tpu.assume_multiple %add3A_254, 16384 : i32
        %rem3A_256 = arith.constant 4194304 : i32
        %rem3A_257 = arith.remsi %multiple_of3A_255, %rem3A_256 : i32
        %multiple_of3A_258 = tpu.assume_multiple %rem3A_257, 16384 : i32
        %dma_start3A_259 = arith.constant 0 : i32
        %dma_start3A_260 = arith.constant 0 : i32
        %dma_start3A_261 = arith.constant 0 : i32
        %dma_start3A_262 = tpu.memref_slice %arg6[%dma_start3A_259, %dma_start3A_261] : memref<2x16384xf32, #tpu.memory_space<vmem>> -> memref<1x16384xf32, #tpu.memory_space<vmem>>
        %dma_start3A_263 = tpu.memref_squeeze %dma_start3A_262 : memref<1x16384xf32, #tpu.memory_space<vmem>> -> memref<16384xf32, #tpu.memory_space<vmem>>
        %dma_start3A_264 = tpu.memref_slice %arg3[%multiple_of3A_258] : memref<4194304xf32, #tpu.memory_space<hbm>> -> memref<16384xf32, #tpu.memory_space<hbm>>
        %dma_start3A_265 = tpu.memref_slice %arg9[%dma_start3A_260] : memref<2x!tpu.dma_semaphore, #tpu.memory_space<semaphore_mem>> -> memref<1x!tpu.dma_semaphore, #tpu.memory_space<semaphore_mem>>
        %dma_start3A_266 = tpu.memref_squeeze %dma_start3A_265 : memref<1x!tpu.dma_semaphore, #tpu.memory_space<semaphore_mem>> -> memref<!tpu.dma_semaphore, #tpu.memory_space<semaphore_mem>>
        %dma_start3A_267 = arith.constant 0 : i32
        %dma_start3A_268 = tpu.memref_slice %arg6[%dma_start3A_259, %dma_start3A_267] : memref<2x16384xf32, #tpu.memory_space<vmem>> -> memref<1x16384xf32, #tpu.memory_space<vmem>>
        %dma_start3A_269 = tpu.memref_squeeze %dma_start3A_268 : memref<1x16384xf32, #tpu.memory_space<vmem>> -> memref<16384xf32, #tpu.memory_space<vmem>>
        %dma_start3A_270 = tpu.memref_slice %arg3[%multiple_of3A_258] : memref<4194304xf32, #tpu.memory_space<hbm>> -> memref<16384xf32, #tpu.memory_space<hbm>>
        tpu.enqueue_dma source(%dma_start3A_270 : memref<16384xf32, #tpu.memory_space<hbm>>) target(%dma_start3A_269 : memref<16384xf32, #tpu.memory_space<vmem>>) target_semaphore(%dma_start3A_266 : memref<!tpu.dma_semaphore, #tpu.memory_space<semaphore_mem>>)
      } else {
      }
      %mul3A_163 = arith.constant 2 : i32
      %mul3A_164 = arith.muli %scan3A_94, %mul3A_163 : i32
      %add3A_165 = arith.constant 1 : i32
      %add3A_166 = arith.addi %mul3A_164, %add3A_165 : i32
      %ge3A_167 = arith.constant 2 : i32
      %ge3A_168 = arith.cmpi sge, %add3A_166, %ge3A_167 : i32
      %convert_element_type3A_169 = arith.extui %ge3A_168 : i1 to i32
      %cond3A_170 = arith.constant 0 : i32
      %cond3A_171 = arith.cmpi ne, %convert_element_type3A_169, %cond3A_170 : i32
      scf.if %cond3A_171 {
        %sub3A = arith.constant 2 : i32
        %sub3A_236 = arith.subi %add3A_166, %sub3A : i32
        %mul3A_237 = arith.constant 16384 : i32
        %mul3A_238 = arith.muli %sub3A_236, %mul3A_237 : i32
        %add3A_239 = arith.addi %mul3A_2, %mul3A_238 : i32
        %multiple_of3A_240 = tpu.assume_multiple %add3A_239, 16384 : i32
        %dma_wait3A_241 = arith.constant 1 : i32
        %dma_wait3A_242 = arith.constant 1 : i32
        %dma_wait3A_243 = arith.constant 0 : i32
        %dma_wait3A_244 = tpu.memref_slice %arg7[%dma_wait3A_241, %dma_wait3A_243] : memref<2x16384xf32, #tpu.memory_space<vmem>> -> memref<1x16384xf32, #tpu.memory_space<vmem>>
        %dma_wait3A_245 = tpu.memref_squeeze %dma_wait3A_244 : memref<1x16384xf32, #tpu.memory_space<vmem>> -> memref<16384xf32, #tpu.memory_space<vmem>>
        %dma_wait3A_246 = tpu.memref_slice %arg4[%multiple_of3A_240] : memref<16777216xf32, #tpu.memory_space<hbm>> -> memref<16384xf32, #tpu.memory_space<hbm>>
        %dma_wait3A_247 = tpu.memref_slice %arg10[%dma_wait3A_242] : memref<2x!tpu.dma_semaphore, #tpu.memory_space<semaphore_mem>> -> memref<1x!tpu.dma_semaphore, #tpu.memory_space<semaphore_mem>>
        %dma_wait3A_248 = tpu.memref_squeeze %dma_wait3A_247 : memref<1x!tpu.dma_semaphore, #tpu.memory_space<semaphore_mem>> -> memref<!tpu.dma_semaphore, #tpu.memory_space<semaphore_mem>>
        %dma_wait3A_249 = tpu.memref_slice %arg4[%multiple_of3A_240] : memref<16777216xf32, #tpu.memory_space<hbm>> -> memref<16384xf32, #tpu.memory_space<hbm>>
        %dma_wait3A_250 = arith.constant 0 : i32
        %dma_wait3A_251 = tpu.memref_slice %arg7[%dma_wait3A_241, %dma_wait3A_250] : memref<2x16384xf32, #tpu.memory_space<vmem>> -> memref<1x16384xf32, #tpu.memory_space<vmem>>
        %dma_wait3A_252 = tpu.memref_squeeze %dma_wait3A_251 : memref<1x16384xf32, #tpu.memory_space<vmem>> -> memref<16384xf32, #tpu.memory_space<vmem>>
        tpu.wait_dma2 semaphore(%dma_wait3A_248 : memref<!tpu.dma_semaphore, #tpu.memory_space<semaphore_mem>>) src(%dma_wait3A_252 : memref<16384xf32, #tpu.memory_space<vmem>>) dst(%dma_wait3A_249 : memref<16384xf32, #tpu.memory_space<hbm>>)
      } else {
      }
      %mul3A_172 = arith.constant 16384 : i32
      %mul3A_173 = arith.muli %add3A_166, %mul3A_172 : i32
      %add3A_174 = arith.addi %mul3A_2, %mul3A_173 : i32
      %multiple_of3A_175 = tpu.assume_multiple %add3A_174, 16384 : i32
      %dma_wait3A_176 = arith.constant 1 : i32
      %dma_wait3A_177 = arith.constant 1 : i32
      %dma_wait3A_178 = arith.constant 0 : i32
      %dma_wait3A_179 = tpu.memref_slice %arg5[%dma_wait3A_176, %dma_wait3A_178] : memref<2x16384xf32, #tpu.memory_space<vmem>> -> memref<1x16384xf32, #tpu.memory_space<vmem>>
      %dma_wait3A_180 = tpu.memref_squeeze %dma_wait3A_179 : memref<1x16384xf32, #tpu.memory_space<vmem>> -> memref<16384xf32, #tpu.memory_space<vmem>>
      %dma_wait3A_181 = tpu.memref_slice %arg2[%multiple_of3A_175] : memref<16777216xf32, #tpu.memory_space<hbm>> -> memref<16384xf32, #tpu.memory_space<hbm>>
      %dma_wait3A_182 = tpu.memref_slice %arg8[%dma_wait3A_177] : memref<2x!tpu.dma_semaphore, #tpu.memory_space<semaphore_mem>> -> memref<1x!tpu.dma_semaphore, #tpu.memory_space<semaphore_mem>>
      %dma_wait3A_183 = tpu.memref_squeeze %dma_wait3A_182 : memref<1x!tpu.dma_semaphore, #tpu.memory_space<semaphore_mem>> -> memref<!tpu.dma_semaphore, #tpu.memory_space<semaphore_mem>>
      %dma_wait3A_184 = arith.constant 0 : i32
      %dma_wait3A_185 = tpu.memref_slice %arg5[%dma_wait3A_176, %dma_wait3A_184] : memref<2x16384xf32, #tpu.memory_space<vmem>> -> memref<1x16384xf32, #tpu.memory_space<vmem>>
      %dma_wait3A_186 = tpu.memref_squeeze %dma_wait3A_185 : memref<1x16384xf32, #tpu.memory_space<vmem>> -> memref<16384xf32, #tpu.memory_space<vmem>>
      %dma_wait3A_187 = tpu.memref_slice %arg2[%multiple_of3A_175] : memref<16777216xf32, #tpu.memory_space<hbm>> -> memref<16384xf32, #tpu.memory_space<hbm>>
      tpu.wait_dma2 semaphore(%dma_wait3A_183 : memref<!tpu.dma_semaphore, #tpu.memory_space<semaphore_mem>>) src(%dma_wait3A_187 : memref<16384xf32, #tpu.memory_space<hbm>>) dst(%dma_wait3A_186 : memref<16384xf32, #tpu.memory_space<vmem>>)
      %mul3A_188 = arith.constant 16384 : i32
      %mul3A_189 = arith.muli %add3A_166, %mul3A_188 : i32
      %add3A_190 = arith.addi %mul3A_2, %mul3A_189 : i32
      %multiple_of3A_191 = tpu.assume_multiple %add3A_190, 16384 : i32
      %rem3A_192 = arith.constant 4194304 : i32
      %rem3A_193 = arith.remsi %multiple_of3A_191, %rem3A_192 : i32
      %multiple_of3A_194 = tpu.assume_multiple %rem3A_193, 16384 : i32
      %dma_wait3A_195 = arith.constant 1 : i32
      %dma_wait3A_196 = arith.constant 1 : i32
      %dma_wait3A_197 = arith.constant 0 : i32
      %dma_wait3A_198 = tpu.memref_slice %arg6[%dma_wait3A_195, %dma_wait3A_197] : memref<2x16384xf32, #tpu.memory_space<vmem>> -> memref<1x16384xf32, #tpu.memory_space<vmem>>
      %dma_wait3A_199 = tpu.memref_squeeze %dma_wait3A_198 : memref<1x16384xf32, #tpu.memory_space<vmem>> -> memref<16384xf32, #tpu.memory_space<vmem>>
      %dma_wait3A_200 = tpu.memref_slice %arg3[%multiple_of3A_194] : memref<4194304xf32, #tpu.memory_space<hbm>> -> memref<16384xf32, #tpu.memory_space<hbm>>
      %dma_wait3A_201 = tpu.memref_slice %arg9[%dma_wait3A_196] : memref<2x!tpu.dma_semaphore, #tpu.memory_space<semaphore_mem>> -> memref<1x!tpu.dma_semaphore, #tpu.memory_space<semaphore_mem>>
      %dma_wait3A_202 = tpu.memref_squeeze %dma_wait3A_201 : memref<1x!tpu.dma_semaphore, #tpu.memory_space<semaphore_mem>> -> memref<!tpu.dma_semaphore, #tpu.memory_space<semaphore_mem>>
      %dma_wait3A_203 = arith.constant 0 : i32
      %dma_wait3A_204 = tpu.memref_slice %arg6[%dma_wait3A_195, %dma_wait3A_203] : memref<2x16384xf32, #tpu.memory_space<vmem>> -> memref<1x16384xf32, #tpu.memory_space<vmem>>
      %dma_wait3A_205 = tpu.memref_squeeze %dma_wait3A_204 : memref<1x16384xf32, #tpu.memory_space<vmem>> -> memref<16384xf32, #tpu.memory_space<vmem>>
      %dma_wait3A_206 = tpu.memref_slice %arg3[%multiple_of3A_194] : memref<4194304xf32, #tpu.memory_space<hbm>> -> memref<16384xf32, #tpu.memory_space<hbm>>
      tpu.wait_dma2 semaphore(%dma_wait3A_202 : memref<!tpu.dma_semaphore, #tpu.memory_space<semaphore_mem>>) src(%dma_wait3A_206 : memref<16384xf32, #tpu.memory_space<hbm>>) dst(%dma_wait3A_205 : memref<16384xf32, #tpu.memory_space<vmem>>)
      %parallel_loop3A_207 = arith.constant 0 : i32
      %parallel_loop3A_208 = arith.constant 1024 : i32
      %parallel_loop3A_209 = arith.constant 1 : i32
      %parallel_loop3A_210 = arith.constant 1 : i32
      %parallel_loop3A_211 = arith.constant 1 : i32
      %parallel_loop3A_212 = arith.constant 1 : i32
      scf.for %parallel_loop3A_236 = %parallel_loop3A_207 to %parallel_loop3A_208 step %parallel_loop3A_209  : i32 {
        %parallel_loop3A_237 = arith.constant 16 : i32
        %parallel_loop3A_238 = arith.muli %parallel_loop3A_236, %parallel_loop3A_237 : i32
        %parallel_loop3A_239 = arith.constant 0 : i32
        %parallel_loop3A_240 = tpu.memref_slice %arg5[%parallel_loop3A_210, %parallel_loop3A_239] : memref<2x16384xf32, #tpu.memory_space<vmem>> -> memref<1x16384xf32, #tpu.memory_space<vmem>>
        %parallel_loop3A_241 = tpu.memref_squeeze %parallel_loop3A_240 : memref<1x16384xf32, #tpu.memory_space<vmem>> -> memref<16384xf32, #tpu.memory_space<vmem>>
        %parallel_loop3A_242 = arith.index_cast %parallel_loop3A_238 : i32 to index
        %parallel_loop3A_243 = tpu.vector_load %parallel_loop3A_241[%parallel_loop3A_242] {strides = array<i32>} : memref<16384xf32, #tpu.memory_space<vmem>>, vector<16xf32>,
        %parallel_loop3A_244 = vector.shape_cast %parallel_loop3A_243 : vector<16xf32> to vector<16xf32>
        %parallel_loop3A_245 = arith.constant 0 : i32
        %parallel_loop3A_246 = tpu.memref_slice %arg6[%parallel_loop3A_211, %parallel_loop3A_245] : memref<2x16384xf32, #tpu.memory_space<vmem>> -> memref<1x16384xf32, #tpu.memory_space<vmem>>
        %parallel_loop3A_247 = tpu.memref_squeeze %parallel_loop3A_246 : memref<1x16384xf32, #tpu.memory_space<vmem>> -> memref<16384xf32, #tpu.memory_space<vmem>>
        %parallel_loop3A_248 = arith.index_cast %parallel_loop3A_238 : i32 to index
        %parallel_loop3A_249 = tpu.vector_load %parallel_loop3A_247[%parallel_loop3A_248] {strides = array<i32>} : memref<16384xf32, #tpu.memory_space<vmem>>, vector<16xf32>,
        %parallel_loop3A_250 = vector.shape_cast %parallel_loop3A_249 : vector<16xf32> to vector<16xf32>
        %parallel_loop3A_251 = arith.addf %parallel_loop3A_244, %parallel_loop3A_250 : vector<16xf32>
        %parallel_loop3A_252 = arith.constant 0 : i32
        %parallel_loop3A_253 = tpu.memref_slice %arg7[%parallel_loop3A_212, %parallel_loop3A_252] : memref<2x16384xf32, #tpu.memory_space<vmem>> -> memref<1x16384xf32, #tpu.memory_space<vmem>>
        %parallel_loop3A_254 = tpu.memref_squeeze %parallel_loop3A_253 : memref<1x16384xf32, #tpu.memory_space<vmem>> -> memref<16384xf32, #tpu.memory_space<vmem>>
        %parallel_loop3A_255 = arith.index_cast %parallel_loop3A_238 : i32 to index
        %parallel_loop3A_256 = tpu.vector_load %parallel_loop3A_254[%parallel_loop3A_255] {strides = array<i32>} : memref<16384xf32, #tpu.memory_space<vmem>>, vector<16xf32>,
        %parallel_loop3A_257 = vector.shape_cast %parallel_loop3A_256 : vector<16xf32> to vector<16xf32>
        %parallel_loop3A_258 = vector.shape_cast %parallel_loop3A_251 : vector<16xf32> to vector<16xf32>
        tpu.vector_store %parallel_loop3A_254[%parallel_loop3A_255], %parallel_loop3A_258 {strides = array<i32>} : memref<16384xf32, #tpu.memory_space<vmem>>, vector<16xf32>,
      } {sc.loop_unroll_factor = 8 : i64, sc.parallel_access}
      %mul3A_213 = arith.constant 16384 : i32
      %mul3A_214 = arith.muli %add3A_166, %mul3A_213 : i32
      %add3A_215 = arith.addi %mul3A_2, %mul3A_214 : i32
      %multiple_of3A_216 = tpu.assume_multiple %add3A_215, 16384 : i32
      %dma_start3A_217 = arith.constant 1 : i32
      %dma_start3A_218 = arith.constant 1 : i32
      %dma_start3A_219 = arith.constant 0 : i32
      %dma_start3A_220 = tpu.memref_slice %arg7[%dma_start3A_217, %dma_start3A_219] : memref<2x16384xf32, #tpu.memory_space<vmem>> -> memref<1x16384xf32, #tpu.memory_space<vmem>>
      %dma_start3A_221 = tpu.memref_squeeze %dma_start3A_220 : memref<1x16384xf32, #tpu.memory_space<vmem>> -> memref<16384xf32, #tpu.memory_space<vmem>>
      %dma_start3A_222 = tpu.memref_slice %arg4[%multiple_of3A_216] : memref<16777216xf32, #tpu.memory_space<hbm>> -> memref<16384xf32, #tpu.memory_space<hbm>>
      %dma_start3A_223 = tpu.memref_slice %arg10[%dma_start3A_218] : memref<2x!tpu.dma_semaphore, #tpu.memory_space<semaphore_mem>> -> memref<1x!tpu.dma_semaphore, #tpu.memory_space<semaphore_mem>>
      %dma_start3A_224 = tpu.memref_squeeze %dma_start3A_223 : memref<1x!tpu.dma_semaphore, #tpu.memory_space<semaphore_mem>> -> memref<!tpu.dma_semaphore, #tpu.memory_space<semaphore_mem>>
      %dma_start3A_225 = tpu.memref_slice %arg4[%multiple_of3A_216] : memref<16777216xf32, #tpu.memory_space<hbm>> -> memref<16384xf32, #tpu.memory_space<hbm>>
      %dma_start3A_226 = arith.constant 0 : i32
      %dma_start3A_227 = tpu.memref_slice %arg7[%dma_start3A_217, %dma_start3A_226] : memref<2x16384xf32, #tpu.memory_space<vmem>> -> memref<1x16384xf32, #tpu.memory_space<vmem>>
      %dma_start3A_228 = tpu.memref_squeeze %dma_start3A_227 : memref<1x16384xf32, #tpu.memory_space<vmem>> -> memref<16384xf32, #tpu.memory_space<vmem>>
      tpu.enqueue_dma source(%dma_start3A_228 : memref<16384xf32, #tpu.memory_space<vmem>>) target(%dma_start3A_225 : memref<16384xf32, #tpu.memory_space<hbm>>) target_semaphore(%dma_start3A_224 : memref<!tpu.dma_semaphore, #tpu.memory_space<semaphore_mem>>)
      %add3A_229 = arith.constant 2 : i32
      %add3A_230 = arith.addi %add3A_166, %add3A_229 : i32
      %lt3A_231 = arith.constant 32 : i32
      %lt3A_232 = arith.cmpi slt, %add3A_230, %lt3A_231 : i32
      %convert_element_type3A_233 = arith.extui %lt3A_232 : i1 to i32
      %cond3A_234 = arith.constant 0 : i32
      %cond3A_235 = arith.cmpi ne, %convert_element_type3A_233, %cond3A_234 : i32
      scf.if %cond3A_235 {
        %mul3A_236 = arith.constant 16384 : i32
        %mul3A_237 = arith.muli %add3A_230, %mul3A_236 : i32
        %add3A_238 = arith.addi %mul3A_2, %mul3A_237 : i32
        %multiple_of3A_239 = tpu.assume_multiple %add3A_238, 16384 : i32
        %dma_start3A_240 = arith.constant 1 : i32
        %dma_start3A_241 = arith.constant 1 : i32
        %dma_start3A_242 = arith.constant 0 : i32
        %dma_start3A_243 = tpu.memref_slice %arg5[%dma_start3A_240, %dma_start3A_242] : memref<2x16384xf32, #tpu.memory_space<vmem>> -> memref<1x16384xf32, #tpu.memory_space<vmem>>
        %dma_start3A_244 = tpu.memref_squeeze %dma_start3A_243 : memref<1x16384xf32, #tpu.memory_space<vmem>> -> memref<16384xf32, #tpu.memory_space<vmem>>
        %dma_start3A_245 = tpu.memref_slice %arg2[%multiple_of3A_239] : memref<16777216xf32, #tpu.memory_space<hbm>> -> memref<16384xf32, #tpu.memory_space<hbm>>
        %dma_start3A_246 = tpu.memref_slice %arg8[%dma_start3A_241] : memref<2x!tpu.dma_semaphore, #tpu.memory_space<semaphore_mem>> -> memref<1x!tpu.dma_semaphore, #tpu.memory_space<semaphore_mem>>
        %dma_start3A_247 = tpu.memref_squeeze %dma_start3A_246 : memref<1x!tpu.dma_semaphore, #tpu.memory_space<semaphore_mem>> -> memref<!tpu.dma_semaphore, #tpu.memory_space<semaphore_mem>>
        %dma_start3A_248 = arith.constant 0 : i32
        %dma_start3A_249 = tpu.memref_slice %arg5[%dma_start3A_240, %dma_start3A_248] : memref<2x16384xf32, #tpu.memory_space<vmem>> -> memref<1x16384xf32, #tpu.memory_space<vmem>>
        %dma_start3A_250 = tpu.memref_squeeze %dma_start3A_249 : memref<1x16384xf32, #tpu.memory_space<vmem>> -> memref<16384xf32, #tpu.memory_space<vmem>>
        %dma_start3A_251 = tpu.memref_slice %arg2[%multiple_of3A_239] : memref<16777216xf32, #tpu.memory_space<hbm>> -> memref<16384xf32, #tpu.memory_space<hbm>>
        tpu.enqueue_dma source(%dma_start3A_251 : memref<16384xf32, #tpu.memory_space<hbm>>) target(%dma_start3A_250 : memref<16384xf32, #tpu.memory_space<vmem>>) target_semaphore(%dma_start3A_247 : memref<!tpu.dma_semaphore, #tpu.memory_space<semaphore_mem>>)
        %mul3A_252 = arith.constant 16384 : i32
        %mul3A_253 = arith.muli %add3A_230, %mul3A_252 : i32
        %add3A_254 = arith.addi %mul3A_2, %mul3A_253 : i32
        %multiple_of3A_255 = tpu.assume_multiple %add3A_254, 16384 : i32
        %rem3A_256 = arith.constant 4194304 : i32
        %rem3A_257 = arith.remsi %multiple_of3A_255, %rem3A_256 : i32
        %multiple_of3A_258 = tpu.assume_multiple %rem3A_257, 16384 : i32
        %dma_start3A_259 = arith.constant 1 : i32
        %dma_start3A_260 = arith.constant 1 : i32
        %dma_start3A_261 = arith.constant 0 : i32
        %dma_start3A_262 = tpu.memref_slice %arg6[%dma_start3A_259, %dma_start3A_261] : memref<2x16384xf32, #tpu.memory_space<vmem>> -> memref<1x16384xf32, #tpu.memory_space<vmem>>
        %dma_start3A_263 = tpu.memref_squeeze %dma_start3A_262 : memref<1x16384xf32, #tpu.memory_space<vmem>> -> memref<16384xf32, #tpu.memory_space<vmem>>
        %dma_start3A_264 = tpu.memref_slice %arg3[%multiple_of3A_258] : memref<4194304xf32, #tpu.memory_space<hbm>> -> memref<16384xf32, #tpu.memory_space<hbm>>
        %dma_start3A_265 = tpu.memref_slice %arg9[%dma_start3A_260] : memref<2x!tpu.dma_semaphore, #tpu.memory_space<semaphore_mem>> -> memref<1x!tpu.dma_semaphore, #tpu.memory_space<semaphore_mem>>
        %dma_start3A_266 = tpu.memref_squeeze %dma_start3A_265 : memref<1x!tpu.dma_semaphore, #tpu.memory_space<semaphore_mem>> -> memref<!tpu.dma_semaphore, #tpu.memory_space<semaphore_mem>>
        %dma_start3A_267 = arith.constant 0 : i32
        %dma_start3A_268 = tpu.memref_slice %arg6[%dma_start3A_259, %dma_start3A_267] : memref<2x16384xf32, #tpu.memory_space<vmem>> -> memref<1x16384xf32, #tpu.memory_space<vmem>>
        %dma_start3A_269 = tpu.memref_squeeze %dma_start3A_268 : memref<1x16384xf32, #tpu.memory_space<vmem>> -> memref<16384xf32, #tpu.memory_space<vmem>>
        %dma_start3A_270 = tpu.memref_slice %arg3[%multiple_of3A_258] : memref<4194304xf32, #tpu.memory_space<hbm>> -> memref<16384xf32, #tpu.memory_space<hbm>>
        tpu.enqueue_dma source(%dma_start3A_270 : memref<16384xf32, #tpu.memory_space<hbm>>) target(%dma_start3A_269 : memref<16384xf32, #tpu.memory_space<vmem>>) target_semaphore(%dma_start3A_266 : memref<!tpu.dma_semaphore, #tpu.memory_space<semaphore_mem>>)
      } else {
      }
    }
    %scan3A_70 = arith.constant 16 : i32
    %dma_wait3A = arith.constant 0 : i32
    %dma_wait3A_71 = arith.constant 0 : i32
    %dma_wait3A_72 = arith.constant 0 : i32
    %dma_wait3A_73 = tpu.memref_slice %arg7[%dma_wait3A, %dma_wait3A_72] : memref<2x16384xf32, #tpu.memory_space<vmem>> -> memref<1x16384xf32, #tpu.memory_space<vmem>>
    %dma_wait3A_74 = tpu.memref_squeeze %dma_wait3A_73 : memref<1x16384xf32, #tpu.memory_space<vmem>> -> memref<16384xf32, #tpu.memory_space<vmem>>
    %dma_wait3A_75 = tpu.memref_slice %arg4[%mul3A_2] : memref<16777216xf32, #tpu.memory_space<hbm>> -> memref<16384xf32, #tpu.memory_space<hbm>>
    %dma_wait3A_76 = tpu.memref_slice %arg10[%dma_wait3A_71] : memref<2x!tpu.dma_semaphore, #tpu.memory_space<semaphore_mem>> -> memref<1x!tpu.dma_semaphore, #tpu.memory_space<semaphore_mem>>
    %dma_wait3A_77 = tpu.memref_squeeze %dma_wait3A_76 : memref<1x!tpu.dma_semaphore, #tpu.memory_space<semaphore_mem>> -> memref<!tpu.dma_semaphore, #tpu.memory_space<semaphore_mem>>
    %dma_wait3A_78 = tpu.memref_slice %arg4[%mul3A_2] : memref<16777216xf32, #tpu.memory_space<hbm>> -> memref<16384xf32, #tpu.memory_space<hbm>>
    %dma_wait3A_79 = arith.constant 0 : i32
    %dma_wait3A_80 = tpu.memref_slice %arg7[%dma_wait3A, %dma_wait3A_79] : memref<2x16384xf32, #tpu.memory_space<vmem>> -> memref<1x16384xf32, #tpu.memory_space<vmem>>
    %dma_wait3A_81 = tpu.memref_squeeze %dma_wait3A_80 : memref<1x16384xf32, #tpu.memory_space<vmem>> -> memref<16384xf32, #tpu.memory_space<vmem>>
    tpu.wait_dma2 semaphore(%dma_wait3A_77 : memref<!tpu.dma_semaphore, #tpu.memory_space<semaphore_mem>>) src(%dma_wait3A_81 : memref<16384xf32, #tpu.memory_space<vmem>>) dst(%dma_wait3A_78 : memref<16384xf32, #tpu.memory_space<hbm>>)
    %dma_wait3A_82 = arith.constant 1 : i32
    %dma_wait3A_83 = arith.constant 1 : i32
    %dma_wait3A_84 = arith.constant 0 : i32
    %dma_wait3A_85 = tpu.memref_slice %arg7[%dma_wait3A_82, %dma_wait3A_84] : memref<2x16384xf32, #tpu.memory_space<vmem>> -> memref<1x16384xf32, #tpu.memory_space<vmem>>
    %dma_wait3A_86 = tpu.memref_squeeze %dma_wait3A_85 : memref<1x16384xf32, #tpu.memory_space<vmem>> -> memref<16384xf32, #tpu.memory_space<vmem>>
    %dma_wait3A_87 = tpu.memref_slice %arg4[%mul3A_2] : memref<16777216xf32, #tpu.memory_space<hbm>> -> memref<16384xf32, #tpu.memory_space<hbm>>
    %dma_wait3A_88 = tpu.memref_slice %arg10[%dma_wait3A_83] : memref<2x!tpu.dma_semaphore, #tpu.memory_space<semaphore_mem>> -> memref<1x!tpu.dma_semaphore, #tpu.memory_space<semaphore_mem>>
    %dma_wait3A_89 = tpu.memref_squeeze %dma_wait3A_88 : memref<1x!tpu.dma_semaphore, #tpu.memory_space<semaphore_mem>> -> memref<!tpu.dma_semaphore, #tpu.memory_space<semaphore_mem>>
    %dma_wait3A_90 = tpu.memref_slice %arg4[%mul3A_2] : memref<16777216xf32, #tpu.memory_space<hbm>> -> memref<16384xf32, #tpu.memory_space<hbm>>
    %dma_wait3A_91 = arith.constant 0 : i32
    %dma_wait3A_92 = tpu.memref_slice %arg7[%dma_wait3A_82, %dma_wait3A_91] : memref<2x16384xf32, #tpu.memory_space<vmem>> -> memref<1x16384xf32, #tpu.memory_space<vmem>>
    %dma_wait3A_93 = tpu.memref_squeeze %dma_wait3A_92 : memref<1x16384xf32, #tpu.memory_space<vmem>> -> memref<16384xf32, #tpu.memory_space<vmem>>
    tpu.wait_dma2 semaphore(%dma_wait3A_89 : memref<!tpu.dma_semaphore, #tpu.memory_space<semaphore_mem>>) src(%dma_wait3A_93 : memref<16384xf32, #tpu.memory_space<vmem>>) dst(%dma_wait3A_90 : memref<16384xf32, #tpu.memory_space<hbm>>)
    return
  }
}

</mosaic_0001>

<sc_bundles>
// kernel: kernel.3.cloned.1.call-start
scs
__scs_entry_jumppad:
0x0: {  	(pc) =	sbr.rel $0x88, $3  }
0x1: {  	(tag) =	ssettag $0x0;
	lr =	simm.s32 $0x1  }
0x2: {  	[smem:$0x3F9F] =	sst lr;
	_ =	strace $0xD0000000  }
0x3: {  	_ = 	snop  }
0x4: {  	_ = 	snop  }
0x5: {  	_ = 	snop  }
0x6: {  	_ = 	snop  }
0x7: {  	_ = 	snop  }
__scs_overlays_trampoline_lowered:
0x8: {  	[smem:$0x3FAE] =	sst s0  }
0x9: {  	[smem:$0x3FAF] =	sst s1  }
0xa: {  	[smem:$0x3FB0] =	sst s2  }
0xb: {  	[smem:$0x3FB1] =	sst s3  }
0xc: {  	[smem:$0x3FB2] =	sst s4  }
0xd: {  	[smem:$0x3FB3] =	sst s5  }
0xe: {  	[smem:$0x3FB4] =	sst s6  }
0xf: {  	[smem:$0x3FB5] =	sst s7  }
0x10: {  	[smem:$0x3FB6] =	sst s8  }
0x11: {  	[smem:$0x3FB7] =	sst s9;
	s0 =	simm.s32 @!p0 $0x0  }
0x12: {  	s1 =	sld [smem:$0x3F9D];
	s0 =	simm.s32 @p0 $0x1  }
0x13: {  	[smem:$0x3FB8] =	sst s0;
	s0 =	simm.s32 @!p1 $0x0  }
0x14: {  	s2 =	sld [smem:$0x3F9C];
	s0 =	simm.s32 @p1 $0x1  }
0x15: {  	[smem:$0x3FB9] =	sst s0;
	s0 =	simm.s32 @!p2 $0x0  }
0x16: {  	s3 =	sld [smem:$0x3FDB];
	s0 =	simm.s32 @p2 $0x1  }
0x17: {  	s4 =	simm.s32 $0x1BF5;
	[smem:$0x3FBB] =	sst s0  }
0x18: {  	s0 =	sld [smem:$0x3F9E];
	_ =	swait.ge [sflag:s4], $0x0  }
0x19: {  	s7 =	sld [smem:$0x3F9F]  }
0x1a: {  	s8 =	sadd.s32 $0xFFFFE003, lr  }
0x1b: {  	s9 =	sadd.s32 $0xFFFFFEF7, lr;
	s5 =	simm.s32 $0xFFFFFFFF;
	p2 =	slt.u32 s8, $0xFFFFF086  }
0x1c: {  	p1 =	slt.u32 s9, $0xF7A;
	s5 =	simm.s32 @!p2 $0x0  }
0x1d: {  	s5 =	simm.s32 @p1 $0x1;
	p0 =	seq.s32 s7, s2  }
0x1e: {  	s7 =	smul.u32 @!p0 $0xF7A, s2;
	p2 =	seq.s32 @!p0 s5, $0x0  }
0x1f: {  	s9 =	smul.u32 $0xF7A, s1;
	s8 =	simm.s32 @!p0 $0x1BF5;
	p2 =	por !p2, p0  }
0x20: {  	[sflag:s8] =	ssyncset.s32 @!p0 $0xFFFFF086;
	s6 =	sadd.s32 @!p0 s3, s7;
	s7 =	simm.s32 @!p0 $0x108  }
0x21: {  	s3 =	sadd.s32 s3, s9;
	s6 =	sadd.s32 @!p0 $0x88, s6;
	s7 =	simm.s32 @p2 $0x1082  }
0x22: {  	[simem:s7], [sflag:s8] =	dma.local @!p0 [hbm:s6], $0xF7A  }
0x23: {  	s9 =	sor.u32 $0xD0000000, s2;
	s6 =	simm.s32 $0x108;
	_ =	swait.ge @!p0 [sflag:s8], $0x0  }
0x24: {  	s3 =	sadd.s32 $0x88, s3;
	s6 =	simm.s32 @!p1 $0x1082;
	[sflag:s4] =	ssyncset.s32 $0xFFFFF086  }
0x25: {  	[simem:s6], [sflag:s4] =	dma.local [hbm:s3], $0xF7A  }
0x26: {  	[smem:$0x3F9F] =	sst s1;
	(tag) =	ssettag s2;
	_ =	strace s9  }
0x27: {  	s1 =	sld [smem:$0x3FAF]  }
0x28: {  	s2 =	sld [smem:$0x3FB0]  }
0x29: {  	s4 =	sld [smem:$0x3FB2]  }
0x2a: {  	p0 =	seq.s32 s5, $0x0;
	s5 =	sld [smem:$0x3FB3]  }
0x2b: {  	s6 =	sld [smem:$0x3FB4]  }
0x2c: {  	s7 =	sld [smem:$0x3FB5]  }
0x2d: {  	s3 =	simm.s32 $0x108;
	s8 =	sld [smem:$0x3FB6]  }
0x2e: {  	s3 =	simm.s32 @!p0 $0x1082;
	s9 =	sld [smem:$0x3FB7]  }
0x2f: {  	lr =	sadd.s32 s0, s3;
	s0 =	sld [smem:$0x3FAE]  }
0x30: {  	s3 =	sld [smem:$0x3FB1]  }
0x31: {  	[smem:$0x3FBA] =	sst s10  }
0x32: {  	s10 =	sld [smem:$0x3FB8];
	_ =	sdelay $0x3  }
0x33: {  	p0 =	seq.s32 s10, $0x1;
	s10 =	sld [smem:$0x3FBA];
	_ =	sdelay $0x3  }
0x34: {  	[smem:$0x3FBA] =	sst s10  }
0x35: {  	s10 =	sld [smem:$0x3FB9];
	_ =	sdelay $0x3  }
0x36: {  	p1 =	seq.s32 s10, $0x1;
	s10 =	sld [smem:$0x3FBA];
	_ =	sdelay $0x3  }
0x37: {  	[smem:$0x3FBA] =	sst s10  }
0x38: {  	s10 =	sld [smem:$0x3FBB]  }
0x39: {  	_ = 	snop;
	(pc) =	sbr.ind lr, $3  }
0x3a: {  	_ = 	snop  }
0x3b: {  	_ = 	snop  }
0x3c: {  	p2 =	seq.s32 s10, $0x1;
	s10 =	sld [smem:$0x3FBA]  }
0x3d: {  	_ =	shalt  }
0x3e: {  	_ =	shalt  }
0x3f: {  	_ =	shalt  }
0x40: {  	_ =	shalt  }
0x41: {  	_ =	shalt  }
0x42: {  	_ =	shalt  }
0x43: {  	_ =	shalt  }
0x44: {  	_ =	shalt  }
0x45: {  	_ =	shalt  }
0x46: {  	_ =	shalt  }
0x47: {  	_ =	shalt  }
0x48: {  	_ =	shalt  }
0x49: {  	_ =	shalt  }
0x4a: {  	_ =	shalt  }
0x4b: {  	_ =	shalt  }
0x4c: {  	_ =	shalt  }
0x4d: {  	_ =	shalt  }
0x4e: {  	_ =	shalt  }
0x4f: {  	_ =	shalt  }
0x50: {  	_ =	shalt  }
0x51: {  	_ =	shalt  }
0x52: {  	_ =	shalt  }
0x53: {  	_ =	shalt  }
0x54: {  	_ =	shalt  }
0x55: {  	_ =	shalt  }
0x56: {  	_ =	shalt  }
0x57: {  	_ =	shalt  }
0x58: {  	_ =	shalt  }
0x59: {  	_ =	shalt  }
0x5a: {  	_ =	shalt  }
0x5b: {  	_ =	shalt  }
0x5c: {  	_ =	shalt  }
0x5d: {  	_ =	shalt  }
0x5e: {  	_ =	shalt  }
0x5f: {  	_ =	shalt  }
0x60: {  	_ =	shalt  }
0x61: {  	_ =	shalt  }
0x62: {  	_ =	shalt  }
0x63: {  	_ =	shalt  }
0x64: {  	_ =	shalt  }
0x65: {  	_ =	shalt  }
0x66: {  	_ =	shalt  }
0x67: {  	_ =	shalt  }
0x68: {  	_ =	shalt  }
0x69: {  	_ =	shalt  }
0x6a: {  	_ =	shalt  }
0x6b: {  	_ =	shalt  }
0x6c: {  	_ =	shalt  }
0x6d: {  	_ =	shalt  }
0x6e: {  	_ =	shalt  }
0x6f: {  	_ =	shalt  }
0x70: {  	_ =	shalt  }
0x71: {  	_ =	shalt  }
0x72: {  	_ =	shalt  }
0x73: {  	_ =	shalt  }
0x74: {  	_ =	shalt  }
0x75: {  	_ =	shalt  }
0x76: {  	_ =	shalt  }
0x77: {  	_ =	shalt  }
0x78: {  	_ =	shalt  }
0x79: {  	_ =	shalt  }
0x7a: {  	_ =	shalt  }
0x7b: {  	_ =	shalt  }
0x7c: {  	_ =	shalt  }
0x7d: {  	_ =	shalt  }
0x7e: {  	_ =	shalt  }
0x7f: {  	_ =	shalt  }
0x80: {  	_ =	shalt  }
0x81: {  	_ =	shalt  }
0x82: {  	_ =	shalt  }
0x83: {  	_ =	shalt  }
0x84: {  	_ =	shalt  }
0x85: {  	_ =	shalt  }
0x86: {  	_ =	shalt  }
0x87: {  	_ =	shalt  }
.Lfunc_end0:
.L_simem_size_0:
called_computation.1_lowered:
.L_overlay_start_0:
0x88: {  	s2 =	sld [smem:$0x3FD9]  }
0x89: {  	s3 =	sld [smem:$0x3FFE];
	_ =	sdelay $0x1  }
0x8a: {  	s1 =	srdreg.scid  }
0x8b: {  	s0 =	sand.u32 $0x1, s1  }
0x8c: {  	s17 =	sshll.u32 s0, $0xA;
	s2 =	sadd.s32 s3, s2  }
0x8d: {  	s2 =	sadd.s32 s2, s17  }
0x8e: {  	[smem:$0x3FC6] =	sst s2  }
0x8f: {  	_ = 	snop  }
0x90: {  	s2 =	sld [smem:$0x3FD0];
	(tm) =	ssettm $0x1  }
0x91: {  	s18 =	sld [smem:$0x3FFB];
	_ =	sdelay $0x3  }
0x92: {  	_ =	strace s18  }
0x93: {  	s3 =	sld [smem:$0x3FFC];
	_ =	sdelay $0x3  }
0x94: {  	_ =	strace s3  }
0x95: {  	s3 =	sld [smem:$0x3FFD];
	_ =	sdelay $0x3  }
0x96: {  	_ =	strace s3  }
0x97: {  	_ =	strace $0x8FFFFFFF  }
0x98: {  	s19 =	sld [smem:$0x3FDB];
	_ =	sdelay $0x1  }
0x99: {  	s4 =	simm.s32 $_scs_section_size  }
0x9a: {  	s5 =	simm.s32 $_size__tile_overlayer_lowered;
	s6 =	simm.s32 $_tile_overlayer_lowered  }
0x9b: {  	s22 =	simm.s32 $0x1BFF;
	s21 =	sshll.u32 s6, $0x1;
	s3 =	sadd.s32 s4, s19  }
0x9c: {  	s7 =	simm.s32 $0x0;
	s20 =	sshll.u32 s5, $0x1;
	s5 =	sadd.s32 s21, s3  }
0x9d: {  	[timem:s7], [sflag:s22] =	dma.local [hbm:s5], s20  }
0x9e: {  	_ =	swait.ge [sflag:s22], s20  }
0x9f: {  	s4 =	ssub.s32 $0x0, s20;
	[sflag:s22] =	ssyncset.done $0x0  }
0xa0: {  	[sflag:s22] =	ssyncadd.s32 s4;
	_ =	sdelay $0x1  }
0xa1: {  	s23 =	simm.s32 $0x1B8B  }
0xa2: {  	_ =	swait.ge [sflag:s23], $0x1  }
0xa3: {  	[sflag:s23] =	ssyncset.done $0x0  }
0xa4: {  	s25 =	simm.s32 $0x1B8E;
	s24 =	sld [smem:$0x3FFE];
	[sflag:s23] =	ssyncadd.s32 $0xFFFFFFFF  }
0xa5: {  	s26 =	simm.s32 $execute0_lowered;
	[smem:$0x3FD2] =	sst s25  }
0xa6: {  	s5 =	sshll.u32 s26, $0x1;
	_ =	strace $0x80000049;
	[dreg:$0x1] =	wrdreg $0xFFFFFFFF  }
0xa7: {  	s28 =	simm.s32 $_size_execute0_lowered;
	s3 =	sadd.s32 s3, s5;
	[dreg:$0x0] =	wrdreg $0x0  }
0xa8: {  	s5 =	sshll.u32 s28, $0x1;
	[dreg:$0x2] =	wrdreg s3  }
0xa9: {  	[dreg:$0x3] =	wrdreg s5  }
0xaa: {  	[dreg:$0x4] =	wrdreg $0xC0  }
0xab: {  	_ =	task [dreg:s7], $0x5FFFF  }
0xac: {  	[dreg:$0x1] =	wrdreg $0xFFFFFFFF  }
0xad: {  	[dreg:$0x0] =	wrdreg $0x60  }
0xae: {  	[dreg:$0x2] =	wrdreg s2  }
0xaf: {  	[dreg:$0x3] =	wrdreg s24  }
0xb0: {  	[dreg:$0x4] =	wrdreg $0x9  }
0xb1: {  	_ =	task.clear_ibuf [dreg:s7], $0x5FFFF;
	_ =	strace $0x90000049  }
0xb2: {  	s29 =	simm.s32 $0x9;
	_ =	strace $0x8000004B  }
0xb3: {  	_ =	swait.ge [sflag:s29], $0x1  }
0xb4: {  	[sflag:s29] =	ssyncadd.s32 $0xFFFFFFFF  }
0xb5: {  	_ =	strace $0x9000004B  }
0xb6: {  	_ =	sfence  }
0xb7: {  	s30 =	sld [smem:$0x0];
	_ =	sdelay $0x2  }
0xb8: {  	s31 =	sshll.u32 s1, $0xD;
	s1 =	sshrl.u32 s1, $0x2  }
0xb9: {  	s3 =	sand.u32 $0x4000, s31;
	s1 =	sadd.s32 s1, s30  }
0xba: {  	s0 =	sor.u32 s3, s0;
	s1 =	sshll.u32 s1, $0x11  }
0xbb: {  	s0 =	sor.u32 s1, s0  }
0xbc: {  	s0 =	sadd.s32 $0x8F2B, s0  }
0xbd: {  	[sflag:s0] =	ssyncadd.remote.s32 $0x1  }
0xbe: {  	_ =	sfence.sel $0xFFFF  }
0xbf: {  	[dreg:$0x0] =	wrdreg $0xFFFFFFFF;
	(pc) =	sbr.abs _section_cstart, $3  }
0xc0: {  	[dreg:$0x1] =	wrdreg $0xFFFFFFFF  }
0xc1: {  	_ =	task.clear_ibuf [dreg:s7], $0x2FFFF;
	_ =	strace $0x9FFFFFFF  }
0xc2: {  	(tm) =	ssettm $0x7FFFFFFF  }
0xc3: {  	_ =	shalt  }
tec
execute0_lowered:
.L_overlay_start_1:
0x0: {  	(tag) =	ssettag $0x1  }
0x1: {  	s1 =	rddreg [dreg:$0x0]  }
0x2: {  	s6 =	rddreg [dreg:$0x1]  }
0x3: {  	s0 =	rddreg [dreg:$0x2]  }
0x4: {  	s3 =	simm.s32 $0x0;
	s4 =	srdreg.scid;
	s2 =	stileid.u32  }
0x5: {  	s14 =	simm.s32 $0x1;
	s15 =	simm.s32 $0x3;
	s16 =	simm.s32 $0x6  }
0x6: {  	s17 =	simm.s32 $0x2;
	s18 =	simm.s32 $0x4;
	s19 =	simm.s32 $0x5  }
0x7: {  	s20 =	simm.s32 $0x0;
	[smem:$0x7FF] =	sst s3;
	s5 =	sand.u32 $0x1, s4  }
0x8: {  	s7 =	sshll.u32 s2, $0x14;
	s4 =	sadd.s32 $0x800, s6;
	s6 =	sadd.s32 $0x80800, s6  }
0x9: {  	_ =	strace $0x8000004A;
	s8 =	sshll.u32 s5, $0x13;
	s9 =	ssub.s32 $0x2, s5  }
.Ltmp0:
0xa: {  	s5 =	sor.u32 s8, s7;
	s30 =	sshrl.u32 s9, $0x1;
	(pc) =	sbr.rel .LBB2_1-.Ltmp0, $4  }
0xb: {  	s8 =	sshrl.u32 s5, $0x3;
	s13 =	ssub.s32 s9, s30;
	s12 =	sor.u32 $0xC000, s5  }
0xc: {  	s31 =	sand.u32 $0x70000, s8;
	s10 =	sor.u32 $0x800, s8;
	s7 =	sadd.s32 s1, s8  }
0xd: {  	s13 =	smax.u32 s13, $0x1;
	s8 =	sadd.s32 s4, s31;
	s11 =	sand.u32 $0x70800, s10  }
0xe: {  	s9 =	sadd.s32 s1, s10;
	s10 =	sadd.s32 s4, s11;
	s11 =	sor.u32 $0x8000, s5  }
.LBB2_31:
0xf: {  	s20 =	sadd.s32 $0x1, s20  }
0x10: {  	_ =	swait.ge [sflag:s19], $0x4000;
	p0 =	sne.s32 s20, s13  }
.Ltmp1:
0x11: {  	[sflag:s19] =	ssyncset.done $0x0;
	(pc) =	sbr.rel @!p0 .LBB2_32-.Ltmp1, $4  }
0x12: {  	[sflag:s19] =	ssyncadd.s32 $0xFFFFC000  }
0x13: {  	_ =	swait.ge [sflag:s16], $0x4000  }
0x14: {  	[sflag:s16] =	ssyncset.done $0x0  }
0x15: {  	[sflag:s16] =	ssyncadd.s32 $0xFFFFC000  }
.LBB2_1:
0x16: {  	s21 =	simm.s32 $0x10  }
0x17: {  	s24 =	sadd.s32 $0x0, s7;
	s22 =	simm.s32 $0x100;
	s23 =	simm.s32 $0x0  }
.LBB2_2:
0x18: {  	[tilespmem:s23], [sflag:$0x1] =	stream.linear.gather [hbm4b:s24+s3], $0x80, $0x38;
	[tilespmem:$0x18000] =	vst v63  }
0x19: {  	s24 =	smov.u32 s21;
	s23 =	smov.u32 s22;
	p0 =	sne.s32 s21, $0x7F0  }
.Ltmp2:
0x1a: {  	s21 =	sadd.s32 $0x10, s21;
	(pc) =	sbr.rel @p0 .LBB2_2-.Ltmp2, $2  }
0x1b: {  	_ =	sdelay $0x2  }
0x1c: {  	s22 =	sadd.s32 $0x100, s22;
	s24 =	sadd.s32 s24, s7  }
0x1d: {  	[tilespmem:s23], [sflag:$0x1] =	stream.linear.gather [hbm4b:s24+s3], $0x80, $0x38;
	[tilespmem:$0x18000] =	vst v63  }
0x1e: {  	s21 =	simm.s32 $0x8000  }
0x1f: {  	s22 =	simm.s32 $0x10;
	s24 =	sadd.s32 $0x0, s8;
	s23 =	simm.s32 $0x8100  }
.LBB2_4:
0x20: {  	[tilespmem:s21], [sflag:$0x3] =	stream.linear.gather [hbm4b:s24+s3], $0x80, $0x38;
	[tilespmem:$0x18000] =	vst v63  }
0x21: {  	s24 =	smov.u32 s22;
	s21 =	smov.u32 s23;
	p0 =	sne.s32 s22, $0x7F0  }
.Ltmp3:
0x22: {  	s22 =	sadd.s32 $0x10, s22;
	(pc) =	sbr.rel @p0 .LBB2_4-.Ltmp3, $2  }
0x23: {  	_ =	sdelay $0x2  }
0x24: {  	s23 =	sadd.s32 $0x100, s23;
	s24 =	sadd.s32 s24, s8  }
0x25: {  	[tilespmem:s21], [sflag:$0x3] =	stream.linear.gather [hbm4b:s24+s3], $0x80, $0x38;
	[tilespmem:$0x18000] =	vst v63  }
0x26: {  	s21 =	simm.s32 $0x80  }
0x27: {  	s22 =	simm.s32 $0x10;
	s24 =	sadd.s32 $0x0, s9;
	s23 =	simm.s32 $0x180  }
.LBB2_6:
0x28: {  	[tilespmem:s21], [sflag:$0x2] =	stream.linear.gather [hbm4b:s24+s3], $0x80, $0x38;
	[tilespmem:$0x18000] =	vst v63  }
0x29: {  	s24 =	smov.u32 s22;
	s21 =	smov.u32 s23;
	p0 =	sne.s32 s22, $0x7F0  }
.Ltmp4:
0x2a: {  	s22 =	sadd.s32 $0x10, s22;
	(pc) =	sbr.rel @p0 .LBB2_6-.Ltmp4, $2  }
0x2b: {  	_ =	sdelay $0x2  }
0x2c: {  	s23 =	sadd.s32 $0x100, s23;
	s24 =	sadd.s32 s24, s9  }
0x2d: {  	[tilespmem:s21], [sflag:$0x2] =	stream.linear.gather [hbm4b:s24+s3], $0x80, $0x38;
	[tilespmem:$0x18000] =	vst v63  }
0x2e: {  	s21 =	simm.s32 $0x0;
	s22 =	simm.s32 $0x8080  }
0x2f: {  	s23 =	simm.s32 $0x10;
	s25 =	sadd.s32 $0x0, s10;
	s24 =	simm.s32 $0x8180  }
.LBB2_8:
0x30: {  	[tilespmem:s22], [sflag:$0x4] =	stream.linear.gather [hbm4b:s25+s21], $0x80, $0x38;
	[tilespmem:$0x18000] =	vst v63  }
0x31: {  	s25 =	smov.u32 s23;
	s22 =	smov.u32 s24;
	p0 =	sne.s32 s23, $0x7F0  }
.Ltmp5:
0x32: {  	s23 =	sadd.s32 $0x10, s23;
	(pc) =	sbr.rel @p0 .LBB2_8-.Ltmp5, $2  }
0x33: {  	_ =	sdelay $0x2  }
0x34: {  	s24 =	sadd.s32 $0x100, s24;
	s25 =	sadd.s32 s25, s10  }
0x35: {  	[tilespmem:s22], [sflag:$0x4] =	stream.linear.gather [hbm4b:s25+s21], $0x80, $0x38;
	[tilespmem:$0x18000] =	vst v63  }
.LBB2_10:
0x36: {  	p0 =	seq.s32 s21, $0x0  }
0x37: {  	s22 =	simm.s32 @!p0 $0x5  }
0x38: {  	_ =	swait.ge @!p0 [sflag:s22], $0x4000  }
0x39: {  	[sflag:s22] =	ssyncset.done @!p0 $0x0  }
0x3a: {  	[sflag:s22] =	ssyncadd.s32 @!p0 $0xFFFFC000  }
0x3b: {  	_ =	swait.ge [sflag:s14], $0x4000  }
0x3c: {  	[sflag:s14] =	ssyncset.done $0x0  }
0x3d: {  	[sflag:s14] =	ssyncadd.s32 $0xFFFFC000  }
0x3e: {  	_ =	swait.ge [sflag:s15], $0x4000  }
0x3f: {  	[sflag:s15] =	ssyncset.done $0x0  }
0x40: {  	s26 =	simm.s32 $0x40;
	[sflag:s15] =	ssyncadd.s32 $0xFFFFC000  }
0x41: {  	s23 =	simm.s32 $0x8040;
	v1 =	vld [tilespmem:s26+$0x30]  }
0x42: {  	v2 =	vld [tilespmem:s23+$0x30]  }
0x43: {  	v0 =	vld [tilespmem:s23+$0xFFFFFFC0]  }
0x44: {  	v3 =	vld [tilespmem:s26+$0xFFFFFFD0]  }
0x45: {  	v4 =	vld [tilespmem:s23+$0xFFFFFFD0]  }
0x46: {  	v5 =	vld [tilespmem:s26+$0xFFFFFFE0]  }
0x47: {  	v6 =	vld [tilespmem:s23+$0xFFFFFFE0]  }
0x48: {  	v7 =	vld [tilespmem:s26+$0xFFFFFFF0]  }
0x49: {  	v8 =	vld [tilespmem:s23+$0xFFFFFFF0]  }
0x4a: {  	v9 =	vld [tilespmem:s26+$0x0]  }
0x4b: {  	v10 =	vld [tilespmem:s23+$0x0];
	v2 =	vadd.f32 v2, v1  }
0x4c: {  	s24 =	simm.s32 $0x10040;
	v4 =	vadd.f32 v4, v3;
	v1 =	vld [tilespmem:s26+$0x10]  }
0x4d: {  	v5 =	vadd.f32 v6, v5;
	v3 =	vld [tilespmem:s23+$0x10];
	[tilespmem:s24+$0x30] =	vst v2  }
0x4e: {  	v6 =	vadd.f32 v8, v7;
	[tilespmem:s24+$0xFFFFFFD0] =	vst v4;
	v2 =	vld [tilespmem:s26+$0x20]  }
0x4f: {  	[tilespmem:s24+$0xFFFFFFE0] =	vst v5;
	v5 =	vld [tilespmem:s23+$0x20]  }
0x50: {  	s25 =	simm.s32 $0x0;
	s22 =	sshll.u32 s21, $0xF;
	v4 =	vld [tilespmem:s26+$0xFFFFFFC0];
	[tilespmem:s24+$0xFFFFFFF0] =	vst v6;
	v6 =	vadd.f32 v10, v9;
	s26 =	simm.s32 $0x140  }
.LBB2_11:
0x51: {  	v7 =	vld [tilespmem:s26+$0x30];
	s23 =	sadd.s32 $0x100, s23  }
0x52: {  	s25 =	sadd.s32 $0x8, s25;
	v8 =	vld [tilespmem:s23+$0x30];
	[tilespmem:s24+$0x0] =	vst v6;
	v1 =	vadd.f32 v3, v1  }
0x53: {  	p1 =	slt.u32 s25, $0x3F8;
	v3 =	vld [tilespmem:s23+$0xFFFFFFC0]  }
0x54: {  	v6 =	vld [tilespmem:s26+$0xFFFFFFD0];
	[tilespmem:s24+$0x10] =	vst v1;
	v1 =	vadd.f32 v5, v2  }
0x55: {  	v2 =	vld [tilespmem:s23+$0xFFFFFFD0];
	v9 =	vadd.f32 v0, v4  }
0x56: {  	v4 =	vld [tilespmem:s26+$0xFFFFFFE0];
	[tilespmem:s24+$0x20] =	vst v1  }
0x57: {  	v1 =	vld [tilespmem:s23+$0xFFFFFFE0];
	v5 =	vadd.f32 v8, v7;
	[tilespmem:s24+$0xFFFFFFC0] =	vst v9  }
0x58: {  	s24 =	sadd.s32 $0x100, s24;
	v7 =	vld [tilespmem:s26+$0xFFFFFFF0];
	v0 =	vmov v3  }
0x59: {  	v8 =	vld [tilespmem:s23+$0xFFFFFFF0];
	[tilespmem:s24+$0x30] =	vst v5  }
0x5a: {  	v2 =	vadd.f32 v2, v6;
	v6 =	vld [tilespmem:s26+$0x0]  }
0x5b: {  	v9 =	vld [tilespmem:s23+$0x0]  }
.Ltmp6:
0x5c: {  	[tilespmem:s24+$0xFFFFFFD0] =	vst v2;
	v2 =	vadd.f32 v1, v4;
	v1 =	vld [tilespmem:s26+$0x10];
	(pc) =	sbr.rel @p1 .LBB2_11-.Ltmp6, $4  }
0x5d: {  	v3 =	vld [tilespmem:s23+$0x10]  }
0x5e: {  	[tilespmem:s24+$0xFFFFFFE0] =	vst v2;
	v7 =	vadd.f32 v8, v7;
	v2 =	vld [tilespmem:s26+$0x20]  }
0x5f: {  	v5 =	vld [tilespmem:s23+$0x20]  }
0x60: {  	v4 =	vld [tilespmem:s26+$0xFFFFFFC0];
	[tilespmem:s24+$0xFFFFFFF0] =	vst v7;
	v6 =	vadd.f32 v9, v6;
	s26 =	sadd.s32 $0x100, s26  }
0x61: {  	_ =	sdelay $0x1  }
0x62: {  	v1 =	vadd.f32 v3, v1  }
0x63: {  	s23 =	sor.u32 s5, s22;
	[tilespmem:s24+$0x0] =	vst v6;
	v2 =	vadd.f32 v5, v2  }
0x64: {  	s23 =	sshrl.u32 s23, $0x3;
	[tilespmem:s24+$0x10] =	vst v1;
	v0 =	vadd.f32 v0, v4  }
0x65: {  	s26 =	simm.s32 $0x10000;
	s25 =	sadd.s32 s6, s23;
	[tilespmem:s24+$0x20] =	vst v2  }
0x66: {  	s28 =	simm.s32 $0x10100;
	s29 =	sadd.s32 $0x0, s25;
	[tilespmem:s24+$0xFFFFFFC0] =	vst v0;
	s24 =	simm.s32 $0x10  }
.LBB2_13:
0x67: {  	[hbm4b:s29+s3] =	stream.linear.scatter [tilespmem:s26], [sflag:$0x5], $0x80, $0x38;
	[tilespmem:$0x18000] =	vst v63  }
0x68: {  	s29 =	smov.u32 s24;
	s26 =	smov.u32 s28;
	p1 =	sne.s32 s24, $0x7F0  }
.Ltmp7:
0x69: {  	s24 =	sadd.s32 $0x10, s24;
	(pc) =	sbr.rel @p1 .LBB2_13-.Ltmp7, $2  }
0x6a: {  	_ =	sdelay $0x2  }
0x6b: {  	s28 =	sadd.s32 $0x100, s28;
	s29 =	sadd.s32 s29, s25  }
0x6c: {  	p1 =	seq.s32 s21, $0xF  }
.Ltmp8:
0x6d: {  	_ = 	snop;
	(pc) =	sbr.rel @p1 .LBB2_20-.Ltmp8, $2  }
0x6e: {  	_ =	sdelay $0x2  }
0x6f: {  	[hbm4b:s29+s3] =	stream.linear.scatter [tilespmem:s26], [sflag:$0x5], $0x80, $0x38;
	[tilespmem:$0x18000] =	vst v63  }
0x70: {  	s24 =	sadd.s32 s22, s11  }
0x71: {  	s24 =	sshrl.u32 s24, $0x3  }
0x72: {  	s26 =	simm.s32 $0x0;
	s25 =	sadd.s32 s1, s24  }
0x73: {  	s28 =	simm.s32 $0x10;
	s29 =	simm.s32 $0x100;
	s30 =	sadd.s32 $0x0, s25  }
.LBB2_16:
0x74: {  	[tilespmem:s26], [sflag:$0x1] =	stream.linear.gather [hbm4b:s30+s3], $0x80, $0x38;
	[tilespmem:$0x18000] =	vst v63  }
0x75: {  	s30 =	smov.u32 s28;
	s26 =	smov.u32 s29;
	p2 =	sne.s32 s28, $0x7F0  }
.Ltmp9:
0x76: {  	s28 =	sadd.s32 $0x10, s28;
	(pc) =	sbr.rel @p2 .LBB2_16-.Ltmp9, $2  }
0x77: {  	_ =	sdelay $0x2  }
0x78: {  	s29 =	sadd.s32 $0x100, s29;
	s30 =	sadd.s32 s30, s25  }
0x79: {  	[tilespmem:s26], [sflag:$0x1] =	stream.linear.gather [hbm4b:s30+s3], $0x80, $0x38;
	[tilespmem:$0x18000] =	vst v63  }
0x7a: {  	s24 =	sand.u32 $0x7F000, s24  }
0x7b: {  	s25 =	simm.s32 $0x8000;
	s24 =	sadd.s32 s4, s24  }
0x7c: {  	s26 =	simm.s32 $0x10;
	s28 =	simm.s32 $0x8100;
	s29 =	sadd.s32 $0x0, s24  }
.LBB2_18:
0x7d: {  	[tilespmem:s25], [sflag:$0x3] =	stream.linear.gather [hbm4b:s29+s3], $0x80, $0x38;
	[tilespmem:$0x18000] =	vst v63  }
0x7e: {  	s29 =	smov.u32 s26;
	s25 =	smov.u32 s28;
	p2 =	sne.s32 s26, $0x7F0  }
.Ltmp10:
0x7f: {  	s26 =	sadd.s32 $0x10, s26;
	(pc) =	sbr.rel @p2 .LBB2_18-.Ltmp10, $2  }
0x80: {  	_ =	sdelay $0x2  }
0x81: {  	s28 =	sadd.s32 $0x100, s28;
	s29 =	sadd.s32 s29, s24  }
.Ltmp11:
0x82: {  	(pc) =	sbr.rel @p0 .LBB2_21-.Ltmp11, $2  }
0x83: {  	_ =	sdelay $0x2  }
0x84: {  	[tilespmem:s25], [sflag:$0x3] =	stream.linear.gather [hbm4b:s29+s3], $0x80, $0x38;
	[tilespmem:$0x18000] =	vst v63  }
.LBB2_20:
0x85: {  	_ =	swait.ge [sflag:s16], $0x4000  }
0x86: {  	[sflag:s16] =	ssyncset.done $0x0  }
0x87: {  	[sflag:s16] =	ssyncadd.s32 $0xFFFFC000  }
.LBB2_21:
0x88: {  	_ =	swait.ge [sflag:s17], $0x4000  }
0x89: {  	[sflag:s17] =	ssyncset.done $0x0  }
0x8a: {  	[sflag:s17] =	ssyncadd.s32 $0xFFFFC000  }
0x8b: {  	_ =	swait.ge [sflag:s18], $0x4000  }
0x8c: {  	[sflag:s18] =	ssyncset.done $0x0  }
0x8d: {  	s28 =	simm.s32 $0xF0;
	[sflag:s18] =	ssyncadd.s32 $0xFFFFC000  }
0x8e: {  	s24 =	simm.s32 $0x80F0;
	v1 =	vld [tilespmem:s28+$0x0]  }
0x8f: {  	v2 =	vld [tilespmem:s24+$0x0]  }
0x90: {  	v0 =	vld [tilespmem:s24+$0xFFFFFF90]  }
0x91: {  	v3 =	vld [tilespmem:s28+$0xFFFFFFA0]  }
0x92: {  	v4 =	vld [tilespmem:s24+$0xFFFFFFA0]  }
0x93: {  	v5 =	vld [tilespmem:s28+$0xFFFFFFB0]  }
0x94: {  	v6 =	vld [tilespmem:s24+$0xFFFFFFB0]  }
0x95: {  	v7 =	vld [tilespmem:s28+$0xFFFFFFC0]  }
0x96: {  	v8 =	vld [tilespmem:s24+$0xFFFFFFC0]  }
0x97: {  	v9 =	vld [tilespmem:s28+$0xFFFFFFD0]  }
0x98: {  	v10 =	vld [tilespmem:s24+$0xFFFFFFD0];
	v2 =	vadd.f32 v2, v1  }
0x99: {  	s25 =	simm.s32 $0x100F0;
	v4 =	vadd.f32 v4, v3;
	v1 =	vld [tilespmem:s28+$0xFFFFFFE0]  }
0x9a: {  	v5 =	vadd.f32 v6, v5;
	v3 =	vld [tilespmem:s24+$0xFFFFFFE0];
	[tilespmem:s25+$0x0] =	vst v2  }
0x9b: {  	v6 =	vadd.f32 v8, v7;
	[tilespmem:s25+$0xFFFFFFA0] =	vst v4;
	v2 =	vld [tilespmem:s28+$0xFFFFFFF0]  }
0x9c: {  	[tilespmem:s25+$0xFFFFFFB0] =	vst v5;
	v5 =	vld [tilespmem:s24+$0xFFFFFFF0]  }
0x9d: {  	s26 =	simm.s32 $0x0;
	v4 =	vld [tilespmem:s28+$0xFFFFFF90];
	[tilespmem:s25+$0xFFFFFFC0] =	vst v6;
	v6 =	vadd.f32 v10, v9;
	s28 =	simm.s32 $0x1F0  }
.LBB2_22:
0x9e: {  	v7 =	vld [tilespmem:s28+$0x0];
	s24 =	sadd.s32 $0x100, s24  }
0x9f: {  	s26 =	sadd.s32 $0x8, s26;
	v8 =	vld [tilespmem:s24+$0x0];
	[tilespmem:s25+$0xFFFFFFD0] =	vst v6;
	v1 =	vadd.f32 v3, v1  }
0xa0: {  	p0 =	slt.u32 s26, $0x3F8;
	v3 =	vld [tilespmem:s24+$0xFFFFFF90]  }
0xa1: {  	v6 =	vld [tilespmem:s28+$0xFFFFFFA0];
	[tilespmem:s25+$0xFFFFFFE0] =	vst v1;
	v1 =	vadd.f32 v5, v2  }
0xa2: {  	v2 =	vld [tilespmem:s24+$0xFFFFFFA0];
	v9 =	vadd.f32 v0, v4  }
0xa3: {  	v4 =	vld [tilespmem:s28+$0xFFFFFFB0];
	[tilespmem:s25+$0xFFFFFFF0] =	vst v1  }
0xa4: {  	v1 =	vld [tilespmem:s24+$0xFFFFFFB0];
	v5 =	vadd.f32 v8, v7;
	[tilespmem:s25+$0xFFFFFF90] =	vst v9  }
0xa5: {  	s25 =	sadd.s32 $0x100, s25;
	v7 =	vld [tilespmem:s28+$0xFFFFFFC0];
	v0 =	vmov v3  }
0xa6: {  	v8 =	vld [tilespmem:s24+$0xFFFFFFC0];
	[tilespmem:s25+$0x0] =	vst v5  }
0xa7: {  	v2 =	vadd.f32 v2, v6;
	v6 =	vld [tilespmem:s28+$0xFFFFFFD0]  }
0xa8: {  	v9 =	vld [tilespmem:s24+$0xFFFFFFD0]  }
.Ltmp12:
0xa9: {  	[tilespmem:s25+$0xFFFFFFA0] =	vst v2;
	v2 =	vadd.f32 v1, v4;
	v1 =	vld [tilespmem:s28+$0xFFFFFFE0];
	(pc) =	sbr.rel @p0 .LBB2_22-.Ltmp12, $4  }
0xaa: {  	v3 =	vld [tilespmem:s24+$0xFFFFFFE0]  }
0xab: {  	[tilespmem:s25+$0xFFFFFFB0] =	vst v2;
	v7 =	vadd.f32 v8, v7;
	v2 =	vld [tilespmem:s28+$0xFFFFFFF0]  }
0xac: {  	v5 =	vld [tilespmem:s24+$0xFFFFFFF0]  }
0xad: {  	v4 =	vld [tilespmem:s28+$0xFFFFFF90];
	[tilespmem:s25+$0xFFFFFFC0] =	vst v7;
	v6 =	vadd.f32 v9, v6;
	s28 =	sadd.s32 $0x100, s28  }
0xae: {  	_ =	sdelay $0x1  }
0xaf: {  	v1 =	vadd.f32 v3, v1  }
0xb0: {  	[tilespmem:s25+$0xFFFFFFD0] =	vst v6;
	v2 =	vadd.f32 v5, v2  }
0xb1: {  	s23 =	sadd.s32 s23, s6;
	[tilespmem:s25+$0xFFFFFFE0] =	vst v1;
	v0 =	vadd.f32 v0, v4  }
0xb2: {  	s24 =	simm.s32 $0x10080;
	s23 =	sadd.s32 $0x800, s23;
	[tilespmem:s25+$0xFFFFFFF0] =	vst v2  }
0xb3: {  	s26 =	simm.s32 $0x10180;
	s28 =	sadd.s32 $0x0, s23;
	[tilespmem:s25+$0xFFFFFF90] =	vst v0;
	s25 =	simm.s32 $0x10  }
.LBB2_24:
0xb4: {  	[hbm4b:s28+s3] =	stream.linear.scatter [tilespmem:s24], [sflag:$0x6], $0x80, $0x38;
	[tilespmem:$0x18000] =	vst v63  }
0xb5: {  	s28 =	smov.u32 s25;
	s24 =	smov.u32 s26;
	p0 =	sne.s32 s25, $0x7F0  }
.Ltmp13:
0xb6: {  	s25 =	sadd.s32 $0x10, s25;
	(pc) =	sbr.rel @p0 .LBB2_24-.Ltmp13, $2  }
0xb7: {  	_ =	sdelay $0x2  }
0xb8: {  	s26 =	sadd.s32 $0x100, s26;
	s28 =	sadd.s32 s28, s23  }
.Ltmp14:
0xb9: {  	(pc) =	sbr.rel @p1 .LBB2_31-.Ltmp14, $2  }
0xba: {  	_ =	sdelay $0x2  }
0xbb: {  	[hbm4b:s28+s3] =	stream.linear.scatter [tilespmem:s24], [sflag:$0x6], $0x80, $0x38;
	[tilespmem:$0x18000] =	vst v63  }
0xbc: {  	s22 =	sadd.s32 s22, s12  }
0xbd: {  	s22 =	sshrl.u32 s22, $0x3  }
0xbe: {  	s24 =	simm.s32 $0x80;
	s23 =	sadd.s32 s1, s22  }
0xbf: {  	s25 =	simm.s32 $0x10;
	s26 =	simm.s32 $0x180;
	s28 =	sadd.s32 $0x0, s23  }
.LBB2_27:
0xc0: {  	[tilespmem:s24], [sflag:$0x2] =	stream.linear.gather [hbm4b:s28+s3], $0x80, $0x38;
	[tilespmem:$0x18000] =	vst v63  }
0xc1: {  	s28 =	smov.u32 s25;
	s24 =	smov.u32 s26;
	p0 =	sne.s32 s25, $0x7F0  }
.Ltmp15:
0xc2: {  	s25 =	sadd.s32 $0x10, s25;
	(pc) =	sbr.rel @p0 .LBB2_27-.Ltmp15, $2  }
0xc3: {  	_ =	sdelay $0x2  }
0xc4: {  	s26 =	sadd.s32 $0x100, s26;
	s28 =	sadd.s32 s28, s23  }
0xc5: {  	[tilespmem:s24], [sflag:$0x2] =	stream.linear.gather [hbm4b:s28+s3], $0x80, $0x38;
	[tilespmem:$0x18000] =	vst v63  }
0xc6: {  	s22 =	sand.u32 $0x7F800, s22  }
0xc7: {  	s23 =	simm.s32 $0x8080;
	s22 =	sadd.s32 s4, s22  }
0xc8: {  	s24 =	simm.s32 $0x10;
	s25 =	simm.s32 $0x8180;
	s26 =	sadd.s32 $0x0, s22  }
.LBB2_29:
0xc9: {  	[tilespmem:s23], [sflag:$0x4] =	stream.linear.gather [hbm4b:s26+s3], $0x80, $0x38;
	[tilespmem:$0x18000] =	vst v63  }
0xca: {  	s26 =	smov.u32 s24;
	s23 =	smov.u32 s25;
	p0 =	sne.s32 s24, $0x7F0  }
.Ltmp16:
0xcb: {  	s24 =	sadd.s32 $0x10, s24;
	(pc) =	sbr.rel @p0 .LBB2_29-.Ltmp16, $2  }
0xcc: {  	_ =	sdelay $0x2  }
0xcd: {  	s25 =	sadd.s32 $0x100, s25;
	s26 =	sadd.s32 s26, s22  }
.Ltmp17:
0xce: {  	(pc) =	sbr.rel .LBB2_10-.Ltmp17, $3  }
0xcf: {  	_ =	sdelay $0x1  }
0xd0: {  	[tilespmem:s23], [sflag:$0x4] =	stream.linear.gather [hbm4b:s26+s3], $0x80, $0x38;
	[tilespmem:$0x18000] =	vst v63  }
0xd1: {  	s21 =	sadd.s32 $0x1, s21  }
.LBB2_32:
0xd2: {  	_ =	sfence.sel $0x180000  }
0xd3: {  	[bflag:$0x0] =	sbarrier.arrive $0xFFFF  }
0xd4: {  	p0 =	sne.s32 s2, $0x0;
	_ =	strace $0x9000004A  }
0xd5: {  	s0 =	sadd.s32 @!p0 $0x100000, s0;
	[bflag:$0x2] =	sbarrier.arrive $0xFFFF  }
0xd6: {  	[sflag:s0] =	ssyncadd.tile.s32 @!p0 $0x1;
	_ =	shalt  }
.Lfunc_end2:
_tile_overlayer_lowered:
.L_overlay_start_2:
0xd7: {  	(tag) =	ssettag $0x2  }
0xd8: {  	s0 =	rddreg [dreg:$0x0];
	s2 =	stileid.u32  }
0xd9: {  	s1 =	rddreg [dreg:$0x1];
	p0 =	sne.s32 s2, $0x0  }
0xda: {  	s3 =	rddreg [dreg:$0x2];
	[bflag:$0x3] =	sbarrier.arrive $0xFFFF;
	s2 =	simm.s32 @!p0 $0x1C07  }
0xdb: {  	[timem:s3], [sflag:s2] =	dma.local @!p0 [hbm:s0], s1  }
0xdc: {  	s0 =	simm.s32 @!p0 $0x7  }
0xdd: {  	_ =	swait.ge @!p0 [sflag:s0], s1  }
0xde: {  	s1 =	ssub.s32 @!p0 $0x0, s1;
	[sflag:s0] =	ssyncset.done @!p0 $0x0  }
0xdf: {  	[sflag:s0] =	ssyncadd.s32 @!p0 s1  }
0xe0: {  	[bflag:$0x3] =	sbarrier.arrive $0xFFFF  }
0xe1: {  	_ =	shalt  }

// kernel: sparse-core-data-format-call.cloned.1.call-start
scs
called_computation_lowered:
.L_overlay_start_0:
0x0: {  	s2 =	sld [smem:$0x3FD9]  }
0x1: {  	s3 =	sld [smem:$0x3FFE];
	_ =	sdelay $0x1  }
0x2: {  	s1 =	srdreg.scid  }
0x3: {  	s0 =	sand.u32 $0x1, s1  }
0x4: {  	s19 =	sshll.u32 s0, $0xA;
	s2 =	sadd.s32 s3, s2  }
0x5: {  	s2 =	sadd.s32 s2, s19  }
0x6: {  	[smem:$0x3FC6] =	sst s2  }
0x7: {  	_ = 	snop  }
0x8: {  	s2 =	sld [smem:$0x3FC9]  }
0x9: {  	s20 =	sld [smem:$0x3FD0];
	(tm) =	ssettm $0x1  }
0xa: {  	s4 =	sld [smem:$0x3FFB];
	_ =	sdelay $0x3  }
0xb: {  	_ =	strace s4  }
0xc: {  	s4 =	sld [smem:$0x3FFC];
	_ =	sdelay $0x3  }
0xd: {  	_ =	strace s4  }
0xe: {  	s4 =	sld [smem:$0x3FFD];
	_ =	sdelay $0x3  }
0xf: {  	_ =	strace s4  }
0x10: {  	_ =	strace $0x8FFFFFFF  }
0x11: {  	s21 =	sld [smem:$0x3FDB];
	_ =	sdelay $0x1  }
0x12: {  	s5 =	simm.s32 $_scs_section_size  }
0x13: {  	s6 =	simm.s32 $_size__tile_overlayer_lowered;
	s7 =	simm.s32 $_tile_overlayer_lowered  }
0x14: {  	s24 =	simm.s32 $0x1BFF;
	s23 =	sshll.u32 s7, $0x1;
	s4 =	sadd.s32 s5, s21  }
0x15: {  	s8 =	simm.s32 $0x0;
	s22 =	sshll.u32 s6, $0x1;
	s6 =	sadd.s32 s23, s4  }
0x16: {  	[timem:s8], [sflag:s24] =	dma.local [hbm:s6], s22  }
0x17: {  	_ =	swait.ge [sflag:s24], s22  }
0x18: {  	s5 =	ssub.s32 $0x0, s22;
	[sflag:s24] =	ssyncset.done $0x0  }
0x19: {  	[sflag:s24] =	ssyncadd.s32 s5;
	_ =	sdelay $0x1  }
0x1a: {  	s25 =	simm.s32 $0x1B8B  }
0x1b: {  	_ =	swait.ge [sflag:s25], $0x1  }
0x1c: {  	[sflag:s25] =	ssyncset.done $0x0  }
0x1d: {  	s26 =	simm.s32 $0x1B8E;
	[sflag:s25] =	ssyncadd.s32 $0xFFFFFFFF  }
0x1e: {  	s27 =	simm.s32 $execute0_lowered;
	[smem:$0x3FD2] =	sst s26  }
0x1f: {  	s5 =	sshll.u32 s27, $0x1;
	_ =	strace $0x80000046;
	[dreg:$0x1] =	wrdreg $0xFFFFFFFF  }
0x20: {  	s28 =	simm.s32 $_size_execute0_lowered;
	s4 =	sadd.s32 s4, s5;
	[dreg:$0x0] =	wrdreg $0x0  }
0x21: {  	s5 =	sshll.u32 s28, $0x1;
	[dreg:$0x2] =	wrdreg s4  }
0x22: {  	[dreg:$0x3] =	wrdreg s5  }
0x23: {  	[dreg:$0x4] =	wrdreg $0xC0  }
0x24: {  	_ =	task [dreg:s8], $0x5FFFF  }
0x25: {  	[dreg:$0x1] =	wrdreg $0xFFFFFFFF  }
0x26: {  	[dreg:$0x0] =	wrdreg $0x60  }
0x27: {  	[dreg:$0x2] =	wrdreg s2  }
0x28: {  	[dreg:$0x3] =	wrdreg s20  }
0x29: {  	[dreg:$0x4] =	wrdreg $0x9  }
0x2a: {  	_ =	task.clear_ibuf [dreg:s8], $0x5FFFF;
	_ =	strace $0x90000046  }
0x2b: {  	s29 =	simm.s32 $0x9;
	_ =	strace $0x80000048  }
0x2c: {  	_ =	swait.ge [sflag:s29], $0x1  }
0x2d: {  	[sflag:s29] =	ssyncadd.s32 $0xFFFFFFFF  }
0x2e: {  	_ =	strace $0x90000048  }
0x2f: {  	_ =	sfence  }
0x30: {  	s30 =	sld [smem:$0x0];
	_ =	sdelay $0x2  }
0x31: {  	s31 =	sshll.u32 s1, $0xD;
	s1 =	sshrl.u32 s1, $0x2  }
0x32: {  	s3 =	sand.u32 $0x4000, s31;
	s1 =	sadd.s32 s1, s30  }
0x33: {  	s0 =	sor.u32 s3, s0;
	s1 =	sshll.u32 s1, $0x11  }
0x34: {  	s0 =	sor.u32 s1, s0  }
0x35: {  	s0 =	sadd.s32 $0x8F2B, s0  }
0x36: {  	[sflag:s0] =	ssyncadd.remote.s32 $0x1  }
0x37: {  	_ =	sfence.sel $0xFFFF  }
0x38: {  	[dreg:$0x0] =	wrdreg $0xFFFFFFFF;
	(pc) =	sbr.abs _section_cstart, $3  }
0x39: {  	[dreg:$0x1] =	wrdreg $0xFFFFFFFF  }
0x3a: {  	_ =	task.clear_ibuf [dreg:s8], $0x2FFFF;
	_ =	strace $0x9FFFFFFF  }
0x3b: {  	(tm) =	ssettm $0x7FFFFFFF  }
tec
execute0_lowered:
.L_overlay_start_1:
0x0: {  	(tag) =	ssettag $0x1  }
0x1: {  	s0 =	srdreg.scid  }
0x2: {  	s1 =	sshll.u32 s0, $0x4  }
0x3: {  	s2 =	rddreg [dreg:$0x0];
	s0 =	stileid.u32;
	s1 =	sand.u32 $0x10, s1  }
0x4: {  	s4 =	rddreg [dreg:$0x1];
	s1 =	sor.u32 s0, s1  }
0x5: {  	s7 =	simm.s32 $0x1;
	s8 =	simm.s32 $0x2;
	s3 =	sshll.u32 s1, $0x1  }
0x6: {  	s9 =	simm.s32 $0x0;
	s12 =	simm.s32 $0x0;
	s6 =	ssub.s32 $0x800, s3  }
.Ltmp0:
0x7: {  	s11 =	simm.s32 $0x0;
	s5 =	sand.u32 $0x3E, s6;
	(pc) =	sbr.rel .LBB1_1-.Ltmp0, $4  }
0x8: {  	s1 =	rddreg [dreg:$0x2];
	_ =	strace $0x80000047;
	p0 =	sne.s32 s5, $0x0  }
0x9: {  	s6 =	sshrl.u32 s6, $0x6;
	s5 =	simm.s32 $0x1;
	s7 =	simm.s32 @!p0 $0x0  }
0xa: {  	s10 =	smov.u32 s3;
	[sflag:s5] =	ssyncpa.u1 $0x0;
	s6 =	sadd.s32 s7, s6  }
0xb: {  	[sflag:s8] =	ssyncpa.u1 $0x0;
	s8 =	simm.s32 $0x0;
	s7 =	sadd.s32 $0x1, s6  }
.LBB1_9:
0xc: {  	s14 =	sadd.s32 $0x40, s10  }
0xd: {  	p1 =	sgt.s32 s14, $0x7FF  }
0xe: {  	s14 =	smov.u32 @p1 s3;
	p1 =	sne.s32 s11, s7  }
.Ltmp1:
0xf: {  	p0 =	slt.u32 s11, $0x2;
	(pc) =	sbr.rel @!p1 .LBB1_10-.Ltmp1, $4  }
0x10: {  	s13 =	simm.s32 @!p0 $0x2  }
0x11: {  	s15 =	sadd.s32 $0x1, s11;
	_ =	swait.ge @!p0 [sflag:s13], $0x4000  }
0x12: {  	s12 =	smov.u32 s10;
	s9 =	sadd.s32 $0x4000, s9;
	[sflag:s13] =	ssyncset.done @!p0 $0x0  }
0x13: {  	s11 =	smov.u32 s15;
	s10 =	smov.u32 s14;
	[sflag:s13] =	ssyncadd.s32 @!p0 $0xFFFFC000  }
.LBB1_1:
0x14: {  	p0 =	sge.u32 s11, s6  }
0x15: {  	s13 =	sxor.u32 @!p0 $0xFFFFFFFF, s11  }
0x16: {  	s31 =	sadd.s32 $0xFFFFFFFF, s11;
	s14 =	sshll.u32 @!p0 s10, $0xA;
	s13 =	sshll.u32 @!p0 s13, $0xE  }
0x17: {  	s15 =	simm.s32 @!p0 $0x0;
	s14 =	sadd.s32 @!p0 s2, s14;
	s13 =	sand.u32 @!p0 $0x4000, s13  }
0x18: {  	[tilespmem:s13], [sflag:$0x1] =	stream.linear.gather @!p0 [hbm4b:s14+s15], $0x4000, $0x38;
	[tilespmem:$0x10000] =	vst v63  }
0x19: {  	p0 =	sge.u32 s31, s6  }
.Ltmp2:
0x1a: {  	_ = 	snop;
	(pc) =	sbr.rel @p0 .LBB1_9-.Ltmp2, $1  }
0x1b: {  	_ =	sdelay $0x3  }
0x1c: {  	s13 =	sshll.u32 s9, $0x2  }
0x1d: {  	_ =	swait.ge [sflag:s5], $0x4000;
	s14 =	sshll.u32 s11, $0xE;
	s16 =	simm.s32 $0x0  }
0x1e: {  	p1 =	por $0x1, $0x1;
	s13 =	sand.u32 $0x10000, s13;
	[sflag:s5] =	ssyncset.done $0x0  }
0x1f: {  	s14 =	sand.u32 $0x4000, s14;
	s15 =	sshrl.u32 s13, $0x2;
	[sflag:s5] =	ssyncadd.s32 $0xFFFFC000  }
0x20: {  	s13 =	sor.u32 $0x8000, s14;
	s14 =	sadd.s32 $0x8040, s15;
	s15 =	sadd.s32 $0x40, s15  }
.LBB1_3:
0x21: {  	s16 =	sshll.u32 s16, $0x2  }
0x22: {  	p0 =	por p1, p1;
	s17 =	sshra.s32 s16, $0x2  }
0x23: {  	s18 =	simm.s32 $0x0;
	s16 =	sadd.s32 s17, s14;
	s17 =	sadd.s32 s17, s15  }
.LBB1_4:
0x24: {  	v0 =	vmov s17;
	_ =	sdelay $0x3  }
0x25: {  	s20 =	simm.s32 $0x0  }
0x26: {  	v6 =	vld.idx.msk [tilespmem:v0+s20+$0x30 ss:$0x1], $0xffff  }
0x27: {  	v7 =	vld.idx.msk [tilespmem:v0+s20+$0xFFFFFFC0 ss:$0x1], $0xffff  }
0x28: {  	v5 =	vld.idx.msk [tilespmem:v0+s20+$0xFFFFFFD0 ss:$0x1], $0xffff  }
0x29: {  	v4 =	vld.idx.msk [tilespmem:v0+s20+$0xFFFFFFE0 ss:$0x1], $0xffff  }
0x2a: {  	v3 =	vld.idx.msk [tilespmem:v0+s20+$0xFFFFFFF0 ss:$0x1], $0xffff  }
0x2b: {  	v1 =	vld.idx.msk [tilespmem:v0+s20+$0x0 ss:$0x1], $0xffff  }
0x2c: {  	v2 =	vld.idx.msk [tilespmem:v0+s20+$0x10 ss:$0x1], $0xffff;
	[tilespmem:s16+$0x30] =	vst v6  }
0x2d: {  	s19 =	simm.s32 $0x80;
	s21 =	simm.s32 $0x400;
	[tilespmem:s16+$0xFFFFFFC0] =	vst v7;
	v6 =	vld.idx.msk [tilespmem:v0+s20+$0x20 ss:$0x1], $0xffff;
	s20 =	smov.u32 s16  }
.LBB1_5:
0x2e: {  	p1 =	sne.s32 s21, $0xE00;
	v7 =	vld.idx.msk [tilespmem:v0+s19+$0x30 ss:$0x1], $0xffff;
	[tilespmem:s20+$0xFFFFFFD0] =	vst v5  }
0x2f: {  	v8 =	vld.idx.msk [tilespmem:v0+s19+$0xFFFFFFC0 ss:$0x1], $0xffff;
	[tilespmem:s20+$0xFFFFFFE0] =	vst v4  }
0x30: {  	v5 =	vld.idx.msk [tilespmem:v0+s19+$0xFFFFFFD0 ss:$0x1], $0xffff;
	[tilespmem:s20+$0xFFFFFFF0] =	vst v3  }
.Ltmp3:
0x31: {  	v4 =	vld.idx.msk [tilespmem:v0+s19+$0xFFFFFFE0 ss:$0x1], $0xffff;
	[tilespmem:s20+$0x0] =	vst v1;
	(pc) =	sbr.rel @p1 .LBB1_5-.Ltmp3, $4  }
0x32: {  	v3 =	vld.idx.msk [tilespmem:v0+s19+$0xFFFFFFF0 ss:$0x1], $0xffff;
	[tilespmem:s20+$0x10] =	vst v2  }
0x33: {  	v1 =	vld.idx.msk [tilespmem:v0+s19+$0x0 ss:$0x1], $0xffff;
	[tilespmem:s20+$0x20] =	vst v6;
	s20 =	sadd.s32 $0x400, s20  }
0x34: {  	v2 =	vld.idx.msk [tilespmem:v0+s19+$0x10 ss:$0x1], $0xffff;
	[tilespmem:s20+$0x30] =	vst v7  }
0x35: {  	[tilespmem:s20+$0xFFFFFFC0] =	vst v8;
	v6 =	vld.idx.msk [tilespmem:v0+s19+$0x20 ss:$0x1], $0xffff;
	s19 =	sshra.s32 s21, $0x2;
	s21 =	sadd.s32 $0x200, s21  }
0x36: {  	_ =	sdelay $0x2  }
0x37: {  	[tilespmem:s20+$0xFFFFFFD0] =	vst v5  }
0x38: {  	v56 =	vld.idx.msk [tilespmem:v0+s19+$0x30 ss:$0x1], $0xffff;
	[tilespmem:s20+$0xFFFFFFE0] =	vst v4  }
0x39: {  	v57 =	vld.idx.msk [tilespmem:v0+s19+$0xFFFFFFC0 ss:$0x1], $0xffff;
	[tilespmem:s20+$0xFFFFFFF0] =	vst v3  }
0x3a: {  	v58 =	vld.idx.msk [tilespmem:v0+s19+$0xFFFFFFD0 ss:$0x1], $0xffff;
	[tilespmem:s20+$0x0] =	vst v1  }
0x3b: {  	v59 =	vld.idx.msk [tilespmem:v0+s19+$0xFFFFFFE0 ss:$0x1], $0xffff;
	[tilespmem:s20+$0x10] =	vst v2  }
0x3c: {  	v60 =	vld.idx.msk [tilespmem:v0+s19+$0xFFFFFFF0 ss:$0x1], $0xffff;
	s31 =	sadd.s32 $0x400, s20;
	[tilespmem:s20+$0x20] =	vst v6  }
0x3d: {  	v61 =	vld.idx.msk [tilespmem:v0+s19+$0x0 ss:$0x1], $0xffff;
	[tilespmem:s31+$0x30] =	vst v56  }
0x3e: {  	v62 =	vld.idx.msk [tilespmem:v0+s19+$0x10 ss:$0x1], $0xffff;
	s18 =	sadd.s32 $0x1, s18;
	[tilespmem:s31+$0xFFFFFFC0] =	vst v57  }
0x3f: {  	v63 =	vld.idx.msk [tilespmem:v0+s19+$0x20 ss:$0x1], $0xffff;
	p1 =	sne.s32 s18, $0x8;
	[tilespmem:s31+$0xFFFFFFD0] =	vst v58  }
.Ltmp4:
0x40: {  	[tilespmem:s31+$0xFFFFFFE0] =	vst v59;
	(pc) =	sbr.rel @p1 .LBB1_4-.Ltmp4, $4  }
0x41: {  	[tilespmem:s31+$0xFFFFFFF0] =	vst v60  }
0x42: {  	[tilespmem:s31+$0x0] =	vst v61  }
0x43: {  	[tilespmem:s31+$0x10] =	vst v62  }
0x44: {  	s16 =	sadd.s32 $0x80, s16;
	s17 =	sadd.s32 $0x400, s17;
	[tilespmem:s31+$0x20] =	vst v63  }
.Ltmp5:
0x45: {  	(pc) =	sbr.rel @p0 .LBB1_3-.Ltmp5, $2  }
0x46: {  	_ =	sdelay $0x2  }
0x47: {  	s16 =	simm.s32 $0x2000;
	p1 =	por $0x0, $0x0  }
.Ltmp6:
0x48: {  	(pc) =	sbr.rel .LBB1_9-.Ltmp6, $4  }
0x49: {  	_ = 	snop  }
0x4a: {  	s12 =	sshll.u32 s12, $0xA  }
0x4b: {  	s12 =	sadd.s32 s4, s12  }
0x4c: {  	[hbm4b:s12+s8] =	stream.linear.scatter [tilespmem:s13], [sflag:$0x2], $0x4000, $0x38;
	[tilespmem:$0x10000] =	vst v63  }
.LBB1_10:
0x4d: {  	_ =	sfence.sel $0x180000  }
0x4e: {  	s2 =	simm.s32 $0x1;
	[bflag:$0x0] =	sbarrier.arrive $0xFFFF  }
0x4f: {  	s31 =	simm.s32 $0x2;
	[sflag:s2] =	ssyncpa.u1 $0x1  }
0x50: {  	[sflag:s31] =	ssyncpa.u1 $0x1  }
0x51: {  	p0 =	sne.s32 s0, $0x0;
	_ =	strace $0x90000047  }
0x52: {  	s0 =	sadd.s32 @!p0 $0x100000, s1;
	[bflag:$0x2] =	sbarrier.arrive $0xFFFF  }
0x53: {  	[sflag:s0] =	ssyncadd.tile.s32 @!p0 $0x1;
	_ =	shalt  }
.Lfunc_end1:
_tile_overlayer_lowered:
.L_overlay_start_2:
0x54: {  	(tag) =	ssettag $0x2  }
0x55: {  	s0 =	rddreg [dreg:$0x0];
	s2 =	stileid.u32  }
0x56: {  	s1 =	rddreg [dreg:$0x1];
	p0 =	sne.s32 s2, $0x0  }
0x57: {  	s3 =	rddreg [dreg:$0x2];
	[bflag:$0x3] =	sbarrier.arrive $0xFFFF;
	s2 =	simm.s32 @!p0 $0x1C01  }
0x58: {  	[timem:s3], [sflag:s2] =	dma.local @!p0 [hbm:s0], s1  }
0x59: {  	s0 =	simm.s32 @!p0 $0x1  }
0x5a: {  	_ =	swait.ge @!p0 [sflag:s0], s1  }
0x5b: {  	s1 =	ssub.s32 @!p0 $0x0, s1;
	[sflag:s0] =	ssyncset.done @!p0 $0x0  }
0x5c: {  	[sflag:s0] =	ssyncadd.s32 @!p0 s1  }
0x5d: {  	[bflag:$0x3] =	sbarrier.arrive $0xFFFF  }
0x5e: {  	_ =	shalt  }

</sc_bundles>
